<compile_context>
chip_gen: v7x
topology: tpu7x:2x2x1
jax: 0.10.2.dev20260603
libtpu: 0.0.44.dev20260713+nightly
codegen_flags: <defaults>
</compile_context>

<pallas_src>
import functools

import jax
import jax.numpy as jnp
from jax import lax
from jax.experimental import pallas as pl
from jax.experimental.pallas import tpu as pltpu
from jax.experimental.pallas import tpu_sc as plsc

N_NODES = 10000
N_EDGES = 320000
D = 128

NC = 2
NS = 16
NW = NC * NS

EDGES_PER_TILE = N_EDGES // NW
CHUNK = 80
STEPS = EDGES_PER_TILE // CHUNK
ROWS_PER_TILE = 632
RPT_PAD = 640
N_PAD = NS * ROWS_PER_TILE

DEG_W = 16

_mesh = plsc.VectorSubcoreMesh(
    core_axis_name="c", subcore_axis_name="s", num_cores=NC, num_subcores=NS
)


import dataclasses as _dc

_cp = pltpu.CompilerParams()
if "needs_layout_passes" in pltpu.CompilerParams.__dataclass_fields__:
    _cp = _dc.replace(_cp, needs_layout_passes=False)


def _deg_body(src_hbm, out_hbm, stage, hist_v, idx_v, row_v, acc_v, bcast_v):
    cid = lax.axis_index("c")
    sid = lax.axis_index("s")
    wid = cid * NS + sid

    @pl.loop(0, N_PAD // 16)
    def _(i):
        hist_v[pl.ds(i * 16, 16)] = jnp.zeros((16,), jnp.float32)

    pltpu.sync_copy(src_hbm.at[pl.ds(wid * EDGES_PER_TILE, EDGES_PER_TILE)], idx_v)

    @pl.loop(0, EDGES_PER_TILE // 16)
    def _(i):
        iv = idx_v[pl.ds(i * 16, 16)]
        plsc.addupdate_scatter(hist_v, [iv], jnp.full((16,), 1.0, jnp.float32))

    plsc.subcore_barrier()
    pltpu.sync_copy(hist_v, stage.at[pl.ds(sid * N_PAD, N_PAD)])
    plsc.subcore_barrier()
    plsc.subcore_barrier()

    @pl.loop(0, RPT_PAD // 16)
    def _(k):
        acc_v[pl.ds(k * 16, 16)] = jnp.zeros((16,), jnp.float32)
        row_v[pl.ds(k * 16, 16)] = jnp.zeros((16,), jnp.float32)

    @pl.loop(0, NS)
    def _(j):
        pltpu.sync_copy(
            stage.at[pl.ds(j * N_PAD + sid * ROWS_PER_TILE, ROWS_PER_TILE)],
            row_v.at[pl.ds(0, ROWS_PER_TILE)])

        @pl.loop(0, RPT_PAD // 16)
        def _(k):
            acc_v[pl.ds(k * 16, 16)] = acc_v[pl.ds(k * 16, 16)] + row_v[pl.ds(k * 16, 16)]

    @pl.loop(0, ROWS_PER_TILE)
    def _(i):
        v = plsc.load_gather(acc_v, [jnp.full((16,), i, jnp.int32)])
        bcast_v[i] = v

    pltpu.sync_copy(bcast_v, out_hbm.at[cid, pl.ds(sid * ROWS_PER_TILE, ROWS_PER_TILE)])


_deg_kernel = pl.kernel(
    _deg_body,
    out_type=jax.ShapeDtypeStruct((NC, N_PAD, DEG_W), jnp.float32),
    mesh=_mesh,
    scratch_types=[
        pltpu.VMEM_SHARED((NS * N_PAD,), jnp.float32),
        pltpu.VMEM((N_PAD,), jnp.float32),
        pltpu.VMEM((EDGES_PER_TILE,), jnp.int32),
        pltpu.VMEM((RPT_PAD,), jnp.float32),
        pltpu.VMEM((RPT_PAD,), jnp.float32),
        pltpu.VMEM((ROWS_PER_TILE, DEG_W), jnp.float32),
    ],
    compiler_params=_cp,
)


AG_CH = 64
AG_STEPS = 156
AG_TAIL = EDGES_PER_TILE - AG_CH * AG_STEPS
NSLOT = 3
AG_ITERS = AG_STEPS // NSLOT


def _agg_body(yn_hbm, src_hbm, dst_hbm, zeros_hbm, out_hbm,
              acc, sidx_v, didx_v, rows0, rows1, rows2, sems):
    cid = lax.axis_index("c")
    sid = lax.axis_index("s")
    wid = cid * NS + sid
    rows = [rows0, rows1, rows2]
    ebase = wid * EDGES_PER_TILE

    z = pltpu.async_copy(
        zeros_hbm, acc.at[pl.ds(sid * ROWS_PER_TILE, ROWS_PER_TILE)],
        sems.at[2 * NSLOT])
    si = pltpu.async_copy(
        src_hbm.at[pl.ds(ebase, EDGES_PER_TILE)], sidx_v, sems.at[2 * NSLOT + 1])
    di = pltpu.async_copy(
        dst_hbm.at[pl.ds(ebase, EDGES_PER_TILE)], didx_v, sems.at[2 * NSLOT + 2])
    z.wait()
    si.wait()
    di.wait()
    plsc.subcore_barrier()

    def gather_slice(t):
        return yn_hbm.at[sidx_v.at[pl.ds(t * AG_CH, AG_CH)]]

    def scatter_slice(t):
        return acc.at[didx_v.at[pl.ds(t * AG_CH, AG_CH)]]

    for b in range(NSLOT):
        pltpu.async_copy(gather_slice(b), rows[b], sems.at[b])

    @pl.loop(0, AG_ITERS - 1)
    def _(k):
        T = k * NSLOT
        sds = []
        for b in range(NSLOT):
            t = T + b
            pltpu.make_async_copy(gather_slice(t), rows[b], sems.at[b]).wait()
            sds.append(pltpu.async_copy(
                rows[b], scatter_slice(t), sems.at[NSLOT + b], add=True))
        for b in range(NSLOT):
            sds[b].wait()
            pltpu.async_copy(gather_slice(T + b + NSLOT), rows[b], sems.at[b])

    T0 = (AG_ITERS - 1) * NSLOT
    for b in range(NSLOT):
        t = T0 + b
        pltpu.make_async_copy(gather_slice(t), rows[b], sems.at[b]).wait()
        pltpu.async_copy(
            rows[b], scatter_slice(t), sems.at[NSLOT + b], add=True).wait()
    pltpu.sync_copy(
        yn_hbm.at[sidx_v.at[pl.ds(AG_STEPS * AG_CH, AG_TAIL)]],
        rows0.at[pl.ds(0, AG_TAIL)])
    pltpu.sync_copy(
        rows0.at[pl.ds(0, AG_TAIL)],
        acc.at[didx_v.at[pl.ds(AG_STEPS * AG_CH, AG_TAIL)]], add=True)

    plsc.subcore_barrier()
    plsc.subcore_barrier()
    pltpu.sync_copy(
        acc.at[pl.ds(sid * ROWS_PER_TILE, ROWS_PER_TILE)],
        out_hbm.at[cid, pl.ds(sid * ROWS_PER_TILE, ROWS_PER_TILE)],
    )


_agg_kernel = pl.kernel(
    _agg_body,
    out_type=jax.ShapeDtypeStruct((NC, N_PAD, D), jnp.float32),
    mesh=_mesh,
    scratch_types=[
        pltpu.VMEM_SHARED((N_PAD, D), jnp.float32),
        pltpu.VMEM((EDGES_PER_TILE,), jnp.int32),
        pltpu.VMEM((EDGES_PER_TILE,), jnp.int32),
        pltpu.VMEM((AG_CH, D), jnp.float32),
        pltpu.VMEM((AG_CH, D), jnp.float32),
        pltpu.VMEM((AG_CH, D), jnp.float32),
        pltpu.SemaphoreType.DMA((2 * NSLOT + 3,)),
    ],
)


def _mmn_body(x_ref, degp_ref, w_ref, o_ref):
    deg = degp_ref[0] + degp_ref[1]
    inv = lax.rsqrt(deg[:, 0:1] + 1.0)
    xn = x_ref[...] * inv
    o_ref[...] = lax.dot_general(
        xn, w_ref[...], (((1,), (1,)), ((), ())),
        preferred_element_type=jnp.float32,
    )


def _final_body(a_ref, yn_ref, b_ref, o_ref):
    o_ref[...] = a_ref[0] + a_ref[1] + yn_ref[...] + b_ref[...]


_RB = 1000
_GRID = N_NODES // _RB


def kernel(x, edge_index, W, b):
    src = edge_index[0]
    dst = edge_index[1]

    degp = _deg_kernel(src)

    yn = pl.pallas_call(
        _mmn_body,
        grid=(_GRID,),
        in_specs=[
            pl.BlockSpec((_RB, D), lambda i: (i, 0)),
            pl.BlockSpec((NC, _RB, DEG_W), lambda i: (0, i, 0)),
            pl.BlockSpec((D, D), lambda i: (0, 0)),
        ],
        out_specs=pl.BlockSpec((_RB, D), lambda i: (i, 0)),
        out_shape=jax.ShapeDtypeStruct((N_NODES, D), jnp.float32),
    )(x, degp, W)

    zeros_rows = jnp.zeros((ROWS_PER_TILE, D), jnp.float32)
    aggp = _agg_kernel(yn, src, dst, zeros_rows)

    out = pl.pallas_call(
        _final_body,
        grid=(_GRID,),
        in_specs=[
            pl.BlockSpec((NC, _RB, D), lambda i: (0, i, 0)),
            pl.BlockSpec((_RB, D), lambda i: (i, 0)),
            pl.BlockSpec((1, D), lambda i: (0, 0)),
        ],
        out_specs=pl.BlockSpec((_RB, D), lambda i: (i, 0)),
        out_shape=jax.ShapeDtypeStruct((N_NODES, D), jnp.float32),
    )(aggp, yn, b.reshape(1, D))

    return out

# --- scband reference (transcript-rebuilt; emitter-appended) ---
"""Pipeline reference for scband-gcnconv-90615220011124 (READ-ONLY COPY).

The authoritative reference and input builder live on the scoring server;
editing this copy changes nothing except your own understanding.
"""

import jax, jax.numpy as jnp
import numpy as np

N_NODES = 10000
N_EDGES = 320000
D_IN = 128
D_OUT = 128


def setup_inputs(seed: int = 0) -> dict:
    key = jax.random.key(seed)
    k1, k2, k3, k4 = jax.random.split(key, 4)
    x = jax.random.normal(k1, (N_NODES, D_IN), dtype=jnp.float32)
    edge_index = jax.random.randint(k2, (2, N_EDGES), 0, N_NODES, dtype=jnp.int32)
    # Linear layer parameters (torch.nn.Linear(in_channels, out_channels))
    W = jax.random.normal(k3, (D_OUT, D_IN), dtype=jnp.float32) * (1.0 / np.sqrt(D_IN))
    b = jax.random.normal(k4, (D_OUT,), dtype=jnp.float32) * (1.0 / np.sqrt(D_IN))
    return {"x": x, "edge_index": edge_index, "W": W, "b": b}


def reference(x, edge_index, W, b):
    src = edge_index[0]
    dst = edge_index[1]
    n = x.shape[0]
    # degrees = sqrt(degree(edge_index[0]) + 1)
    deg = jnp.zeros((n,), dtype=x.dtype).at[src].add(1.0)
    denom = jnp.sqrt(deg + 1.0)
    xn = x / denom[:, None]
    # message passing with 'add' aggregation, including self loops
    agg = jnp.zeros_like(xn).at[dst].add(xn[src])
    agg = agg + xn  # self loop contribution
    # linear layer
    out = agg @ W.T + b
    return out

if __name__ == "__main__":
    import jax
    _d = setup_inputs()
    print(jax.jit(kernel)(*tuple(_d.values())))

</pallas_src>

<mosaic_0001>
#map = affine_map<(d0, d1) -> (0, 0)>
#map1 = affine_map<(d0, d1) -> (0)>
#map2 = affine_map<(d0, d1) -> (0, 0, 0)>
module attributes {stable_mosaic.version = 14 : i64} {
  func.func @_agg_body(%arg0: i32, %arg1: i32, %arg2: memref<10000x128xf32, #tpu.memory_space<hbm>>, %arg3: memref<320000xi32, #tpu.memory_space<hbm>>, %arg4: memref<320000xi32, #tpu.memory_space<hbm>>, %arg5: memref<632x128xf32, #tpu.memory_space<hbm>>, %arg6: memref<2x10112x128xf32, #tpu.memory_space<hbm>>, %arg7: memref<10112x128xf32, #tpu.memory_space<vmem_shared>>, %arg8: memref<10000xi32, #tpu.memory_space<vmem>>, %arg9: memref<10000xi32, #tpu.memory_space<vmem>>, %arg10: memref<64x128xf32, #tpu.memory_space<vmem>>, %arg11: memref<64x128xf32, #tpu.memory_space<vmem>>, %arg12: memref<64x128xf32, #tpu.memory_space<vmem>>, %arg13: memref<9x!tpu.dma_semaphore, #tpu.memory_space<semaphore_mem>>) attributes {dimension_semantics = [#tpu.dimension_semantics<core_parallel>, #tpu.dimension_semantics<subcore_parallel>], iteration_bounds = array<i64: 2, 16>, scalar_prefetch = 0 : i64, scratch_operands = 7 : i64, tpu.core_type = #tpu.core_type<sc_vector_subcore>, window_params = [{transform_indices = #map}, {transform_indices = #map1}, {transform_indices = #map1}, {transform_indices = #map}, {transform_indices = #map2}]} {
    %mul3A = arith.constant 16 : i32
    %mul3A_0 = arith.muli %arg0, %mul3A : i32
    %add3A = arith.addi %mul3A_0, %arg1 : i32
    %mul3A_1 = arith.constant 10000 : i32
    %mul3A_2 = arith.muli %add3A, %mul3A_1 : i32
    %mul3A_3 = arith.constant 632 : i32
    %mul3A_4 = arith.muli %arg1, %mul3A_3 : i32
    %dma_start3A = arith.constant 6 : i32
    %dma_start3A_5 = tpu.memref_slice %arg13[%dma_start3A] : memref<9x!tpu.dma_semaphore, #tpu.memory_space<semaphore_mem>> -> memref<1x!tpu.dma_semaphore, #tpu.memory_space<semaphore_mem>>
    %dma_start3A_6 = tpu.memref_squeeze %dma_start3A_5 : memref<1x!tpu.dma_semaphore, #tpu.memory_space<semaphore_mem>> -> memref<!tpu.dma_semaphore, #tpu.memory_space<semaphore_mem>>
    %dma_start3A_7 = arith.constant 0 : i32
    %dma_start3A_8 = tpu.memref_slice %arg7[%mul3A_4, %dma_start3A_7] : memref<10112x128xf32, #tpu.memory_space<vmem_shared>> -> memref<632x128xf32, #tpu.memory_space<vmem_shared>>
    tpu.enqueue_dma source(%arg5 : memref<632x128xf32, #tpu.memory_space<hbm>>) target(%dma_start3A_8 : memref<632x128xf32, #tpu.memory_space<vmem_shared>>) target_semaphore(%dma_start3A_6 : memref<!tpu.dma_semaphore, #tpu.memory_space<semaphore_mem>>)
    %dma_start3A_9 = arith.constant 7 : i32
    %dma_start3A_10 = tpu.memref_slice %arg3[%mul3A_2] : memref<320000xi32, #tpu.memory_space<hbm>> -> memref<10000xi32, #tpu.memory_space<hbm>>
    %dma_start3A_11 = tpu.memref_slice %arg13[%dma_start3A_9] : memref<9x!tpu.dma_semaphore, #tpu.memory_space<semaphore_mem>> -> memref<1x!tpu.dma_semaphore, #tpu.memory_space<semaphore_mem>>
    %dma_start3A_12 = tpu.memref_squeeze %dma_start3A_11 : memref<1x!tpu.dma_semaphore, #tpu.memory_space<semaphore_mem>> -> memref<!tpu.dma_semaphore, #tpu.memory_space<semaphore_mem>>
    %dma_start3A_13 = tpu.memref_slice %arg3[%mul3A_2] : memref<320000xi32, #tpu.memory_space<hbm>> -> memref<10000xi32, #tpu.memory_space<hbm>>
    tpu.enqueue_dma source(%dma_start3A_13 : memref<10000xi32, #tpu.memory_space<hbm>>) target(%arg8 : memref<10000xi32, #tpu.memory_space<vmem>>) target_semaphore(%dma_start3A_12 : memref<!tpu.dma_semaphore, #tpu.memory_space<semaphore_mem>>)
    %dma_start3A_14 = arith.constant 8 : i32
    %dma_start3A_15 = tpu.memref_slice %arg4[%mul3A_2] : memref<320000xi32, #tpu.memory_space<hbm>> -> memref<10000xi32, #tpu.memory_space<hbm>>
    %dma_start3A_16 = tpu.memref_slice %arg13[%dma_start3A_14] : memref<9x!tpu.dma_semaphore, #tpu.memory_space<semaphore_mem>> -> memref<1x!tpu.dma_semaphore, #tpu.memory_space<semaphore_mem>>
    %dma_start3A_17 = tpu.memref_squeeze %dma_start3A_16 : memref<1x!tpu.dma_semaphore, #tpu.memory_space<semaphore_mem>> -> memref<!tpu.dma_semaphore, #tpu.memory_space<semaphore_mem>>
    %dma_start3A_18 = tpu.memref_slice %arg4[%mul3A_2] : memref<320000xi32, #tpu.memory_space<hbm>> -> memref<10000xi32, #tpu.memory_space<hbm>>
    tpu.enqueue_dma source(%dma_start3A_18 : memref<10000xi32, #tpu.memory_space<hbm>>) target(%arg9 : memref<10000xi32, #tpu.memory_space<vmem>>) target_semaphore(%dma_start3A_17 : memref<!tpu.dma_semaphore, #tpu.memory_space<semaphore_mem>>)
    %dma_wait3A = arith.constant 6 : i32
    %dma_wait3A_19 = tpu.memref_slice %arg13[%dma_wait3A] : memref<9x!tpu.dma_semaphore, #tpu.memory_space<semaphore_mem>> -> memref<1x!tpu.dma_semaphore, #tpu.memory_space<semaphore_mem>>
    %dma_wait3A_20 = tpu.memref_squeeze %dma_wait3A_19 : memref<1x!tpu.dma_semaphore, #tpu.memory_space<semaphore_mem>> -> memref<!tpu.dma_semaphore, #tpu.memory_space<semaphore_mem>>
    %dma_wait3A_21 = arith.constant 0 : i32
    %dma_wait3A_22 = tpu.memref_slice %arg7[%mul3A_4, %dma_wait3A_21] : memref<10112x128xf32, #tpu.memory_space<vmem_shared>> -> memref<632x128xf32, #tpu.memory_space<vmem_shared>>
    tpu.wait_dma2 semaphore(%dma_wait3A_20 : memref<!tpu.dma_semaphore, #tpu.memory_space<semaphore_mem>>) src(%arg5 : memref<632x128xf32, #tpu.memory_space<hbm>>) dst(%dma_wait3A_22 : memref<632x128xf32, #tpu.memory_space<vmem_shared>>)
    %dma_wait3A_23 = arith.constant 7 : i32
    %dma_wait3A_24 = tpu.memref_slice %arg3[%mul3A_2] : memref<320000xi32, #tpu.memory_space<hbm>> -> memref<10000xi32, #tpu.memory_space<hbm>>
    %dma_wait3A_25 = tpu.memref_slice %arg13[%dma_wait3A_23] : memref<9x!tpu.dma_semaphore, #tpu.memory_space<semaphore_mem>> -> memref<1x!tpu.dma_semaphore, #tpu.memory_space<semaphore_mem>>
    %dma_wait3A_26 = tpu.memref_squeeze %dma_wait3A_25 : memref<1x!tpu.dma_semaphore, #tpu.memory_space<semaphore_mem>> -> memref<!tpu.dma_semaphore, #tpu.memory_space<semaphore_mem>>
    %dma_wait3A_27 = tpu.memref_slice %arg3[%mul3A_2] : memref<320000xi32, #tpu.memory_space<hbm>> -> memref<10000xi32, #tpu.memory_space<hbm>>
    tpu.wait_dma2 semaphore(%dma_wait3A_26 : memref<!tpu.dma_semaphore, #tpu.memory_space<semaphore_mem>>) src(%dma_wait3A_27 : memref<10000xi32, #tpu.memory_space<hbm>>) dst(%arg8 : memref<10000xi32, #tpu.memory_space<vmem>>)
    %dma_wait3A_28 = arith.constant 8 : i32
    %dma_wait3A_29 = tpu.memref_slice %arg4[%mul3A_2] : memref<320000xi32, #tpu.memory_space<hbm>> -> memref<10000xi32, #tpu.memory_space<hbm>>
    %dma_wait3A_30 = tpu.memref_slice %arg13[%dma_wait3A_28] : memref<9x!tpu.dma_semaphore, #tpu.memory_space<semaphore_mem>> -> memref<1x!tpu.dma_semaphore, #tpu.memory_space<semaphore_mem>>
    %dma_wait3A_31 = tpu.memref_squeeze %dma_wait3A_30 : memref<1x!tpu.dma_semaphore, #tpu.memory_space<semaphore_mem>> -> memref<!tpu.dma_semaphore, #tpu.memory_space<semaphore_mem>>
    %dma_wait3A_32 = tpu.memref_slice %arg4[%mul3A_2] : memref<320000xi32, #tpu.memory_space<hbm>> -> memref<10000xi32, #tpu.memory_space<hbm>>
    tpu.wait_dma2 semaphore(%dma_wait3A_31 : memref<!tpu.dma_semaphore, #tpu.memory_space<semaphore_mem>>) src(%dma_wait3A_32 : memref<10000xi32, #tpu.memory_space<hbm>>) dst(%arg9 : memref<10000xi32, #tpu.memory_space<vmem>>)
    %barrier3A = arith.constant 0 : index
    tpu.barrier barrier_id(%barrier3A)
    %dma_start3A_33 = arith.constant 0 : i32
    %dma_start3A_34 = arith.constant 0 : i32
    %dma_start3A_35 = tpu.memref_slice %arg8[%dma_start3A_34] : memref<10000xi32, #tpu.memory_space<vmem>> -> memref<64xi32, #tpu.memory_space<vmem>>
    %dma_start3A_36 = arith.constant 0 : i32
    %dma_start3A_37 = arith.constant 0 : i32
    %dma_start3A_38 = tpu.memref_slice %arg2[%dma_start3A_36, %dma_start3A_37] : memref<10000x128xf32, #tpu.memory_space<hbm>> -> memref<10000x128xf32, #tpu.memory_space<hbm>>
    %dma_start3A_39 = tpu.memref_slice %arg13[%dma_start3A_33] : memref<9x!tpu.dma_semaphore, #tpu.memory_space<semaphore_mem>> -> memref<1x!tpu.dma_semaphore, #tpu.memory_space<semaphore_mem>>
    %dma_start3A_40 = tpu.memref_squeeze %dma_start3A_39 : memref<1x!tpu.dma_semaphore, #tpu.memory_space<semaphore_mem>> -> memref<!tpu.dma_semaphore, #tpu.memory_space<semaphore_mem>>
    tpu.enqueue_indirect_dma source(%dma_start3A_38 : memref<10000x128xf32, #tpu.memory_space<hbm>>) target(%arg10 : memref<64x128xf32, #tpu.memory_space<vmem>>) offsets(%dma_start3A_35 : memref<64xi32, #tpu.memory_space<vmem>>) semaphore(%dma_start3A_40 : memref<!tpu.dma_semaphore, #tpu.memory_space<semaphore_mem>>)
    %dma_start3A_41 = arith.constant 1 : i32
    %dma_start3A_42 = arith.constant 64 : i32
    %dma_start3A_43 = tpu.memref_slice %arg8[%dma_start3A_42] : memref<10000xi32, #tpu.memory_space<vmem>> -> memref<64xi32, #tpu.memory_space<vmem>>
    %dma_start3A_44 = arith.constant 0 : i32
    %dma_start3A_45 = arith.constant 0 : i32
    %dma_start3A_46 = tpu.memref_slice %arg2[%dma_start3A_44, %dma_start3A_45] : memref<10000x128xf32, #tpu.memory_space<hbm>> -> memref<10000x128xf32, #tpu.memory_space<hbm>>
    %dma_start3A_47 = tpu.memref_slice %arg13[%dma_start3A_41] : memref<9x!tpu.dma_semaphore, #tpu.memory_space<semaphore_mem>> -> memref<1x!tpu.dma_semaphore, #tpu.memory_space<semaphore_mem>>
    %dma_start3A_48 = tpu.memref_squeeze %dma_start3A_47 : memref<1x!tpu.dma_semaphore, #tpu.memory_space<semaphore_mem>> -> memref<!tpu.dma_semaphore, #tpu.memory_space<semaphore_mem>>
    tpu.enqueue_indirect_dma source(%dma_start3A_46 : memref<10000x128xf32, #tpu.memory_space<hbm>>) target(%arg11 : memref<64x128xf32, #tpu.memory_space<vmem>>) offsets(%dma_start3A_43 : memref<64xi32, #tpu.memory_space<vmem>>) semaphore(%dma_start3A_48 : memref<!tpu.dma_semaphore, #tpu.memory_space<semaphore_mem>>)
    %dma_start3A_49 = arith.constant 2 : i32
    %dma_start3A_50 = arith.constant 128 : i32
    %dma_start3A_51 = tpu.memref_slice %arg8[%dma_start3A_50] : memref<10000xi32, #tpu.memory_space<vmem>> -> memref<64xi32, #tpu.memory_space<vmem>>
    %dma_start3A_52 = arith.constant 0 : i32
    %dma_start3A_53 = arith.constant 0 : i32
    %dma_start3A_54 = tpu.memref_slice %arg2[%dma_start3A_52, %dma_start3A_53] : memref<10000x128xf32, #tpu.memory_space<hbm>> -> memref<10000x128xf32, #tpu.memory_space<hbm>>
    %dma_start3A_55 = tpu.memref_slice %arg13[%dma_start3A_49] : memref<9x!tpu.dma_semaphore, #tpu.memory_space<semaphore_mem>> -> memref<1x!tpu.dma_semaphore, #tpu.memory_space<semaphore_mem>>
    %dma_start3A_56 = tpu.memref_squeeze %dma_start3A_55 : memref<1x!tpu.dma_semaphore, #tpu.memory_space<semaphore_mem>> -> memref<!tpu.dma_semaphore, #tpu.memory_space<semaphore_mem>>
    tpu.enqueue_indirect_dma source(%dma_start3A_54 : memref<10000x128xf32, #tpu.memory_space<hbm>>) target(%arg12 : memref<64x128xf32, #tpu.memory_space<vmem>>) offsets(%dma_start3A_51 : memref<64xi32, #tpu.memory_space<vmem>>) semaphore(%dma_start3A_56 : memref<!tpu.dma_semaphore, #tpu.memory_space<semaphore_mem>>)
    %scan3A = arith.constant 0 : i32
    %scan3A_57 = arith.constant 51 : i32
    %scan3A_58 = arith.addi %scan3A, %scan3A_57 : i32
    %scan3A_59 = arith.constant 1 : i32
    scf.for %scan3A_139 = %scan3A to %scan3A_58 step %scan3A_59  : i32 {
      %mul3A_140 = arith.constant 1 : i32
      %mul3A_141 = arith.muli %scan3A_139, %mul3A_140 : i32
      %add3A_142 = arith.constant 0 : i32
      %add3A_143 = arith.addi %add3A_142, %mul3A_141 : i32
      %mul3A_144 = arith.constant 3 : i32
      %mul3A_145 = arith.muli %add3A_143, %mul3A_144 : i32
      %add3A_146 = arith.constant 0 : i32
      %add3A_147 = arith.addi %mul3A_145, %add3A_146 : i32
      %mul3A_148 = arith.constant 64 : i32
      %mul3A_149 = arith.muli %add3A_147, %mul3A_148 : i32
      %dma_wait3A_150 = arith.constant 0 : i32
      %dma_wait3A_151 = tpu.memref_slice %arg8[%mul3A_149] : memref<10000xi32, #tpu.memory_space<vmem>> -> memref<64xi32, #tpu.memory_space<vmem>>
      %dma_wait3A_152 = arith.constant 0 : i32
      %dma_wait3A_153 = arith.constant 0 : i32
      %dma_wait3A_154 = tpu.memref_slice %arg2[%dma_wait3A_152, %dma_wait3A_153] : memref<10000x128xf32, #tpu.memory_space<hbm>> -> memref<10000x128xf32, #tpu.memory_space<hbm>>
      %dma_wait3A_155 = tpu.memref_slice %arg13[%dma_wait3A_150] : memref<9x!tpu.dma_semaphore, #tpu.memory_space<semaphore_mem>> -> memref<1x!tpu.dma_semaphore, #tpu.memory_space<semaphore_mem>>
      %dma_wait3A_156 = tpu.memref_squeeze %dma_wait3A_155 : memref<1x!tpu.dma_semaphore, #tpu.memory_space<semaphore_mem>> -> memref<!tpu.dma_semaphore, #tpu.memory_space<semaphore_mem>>
      tpu.wait_indirect_dma semaphore(%dma_wait3A_156 : memref<!tpu.dma_semaphore, #tpu.memory_space<semaphore_mem>>) src(%dma_wait3A_154 : memref<10000x128xf32, #tpu.memory_space<hbm>>) dst(%arg10 : memref<64x128xf32, #tpu.memory_space<vmem>>)
      %mul3A_157 = arith.constant 64 : i32
      %mul3A_158 = arith.muli %add3A_147, %mul3A_157 : i32
      %dma_start3A_159 = arith.constant 3 : i32
      %dma_start3A_160 = tpu.memref_slice %arg9[%mul3A_158] : memref<10000xi32, #tpu.memory_space<vmem>> -> memref<64xi32, #tpu.memory_space<vmem>>
      %dma_start3A_161 = arith.constant 0 : i32
      %dma_start3A_162 = arith.constant 0 : i32
      %dma_start3A_163 = tpu.memref_slice %arg7[%dma_start3A_161, %dma_start3A_162] : memref<10112x128xf32, #tpu.memory_space<vmem_shared>> -> memref<10112x128xf32, #tpu.memory_space<vmem_shared>>
      %dma_start3A_164 = tpu.memref_slice %arg13[%dma_start3A_159] : memref<9x!tpu.dma_semaphore, #tpu.memory_space<semaphore_mem>> -> memref<1x!tpu.dma_semaphore, #tpu.memory_space<semaphore_mem>>
      %dma_start3A_165 = tpu.memref_squeeze %dma_start3A_164 : memref<1x!tpu.dma_semaphore, #tpu.memory_space<semaphore_mem>> -> memref<!tpu.dma_semaphore, #tpu.memory_space<semaphore_mem>>
      tpu.enqueue_indirect_dma source(%arg10 : memref<64x128xf32, #tpu.memory_space<vmem>>) target(%dma_start3A_163 : memref<10112x128xf32, #tpu.memory_space<vmem_shared>>) offsets(%dma_start3A_160 : memref<64xi32, #tpu.memory_space<vmem>>) semaphore(%dma_start3A_165 : memref<!tpu.dma_semaphore, #tpu.memory_space<semaphore_mem>>) {add = true}
      %add3A_166 = arith.constant 1 : i32
      %add3A_167 = arith.addi %mul3A_145, %add3A_166 : i32
      %mul3A_168 = arith.constant 64 : i32
      %mul3A_169 = arith.muli %add3A_167, %mul3A_168 : i32
      %dma_wait3A_170 = arith.constant 1 : i32
      %dma_wait3A_171 = tpu.memref_slice %arg8[%mul3A_169] : memref<10000xi32, #tpu.memory_space<vmem>> -> memref<64xi32, #tpu.memory_space<vmem>>
      %dma_wait3A_172 = arith.constant 0 : i32
      %dma_wait3A_173 = arith.constant 0 : i32
      %dma_wait3A_174 = tpu.memref_slice %arg2[%dma_wait3A_172, %dma_wait3A_173] : memref<10000x128xf32, #tpu.memory_space<hbm>> -> memref<10000x128xf32, #tpu.memory_space<hbm>>
      %dma_wait3A_175 = tpu.memref_slice %arg13[%dma_wait3A_170] : memref<9x!tpu.dma_semaphore, #tpu.memory_space<semaphore_mem>> -> memref<1x!tpu.dma_semaphore, #tpu.memory_space<semaphore_mem>>
      %dma_wait3A_176 = tpu.memref_squeeze %dma_wait3A_175 : memref<1x!tpu.dma_semaphore, #tpu.memory_space<semaphore_mem>> -> memref<!tpu.dma_semaphore, #tpu.memory_space<semaphore_mem>>
      tpu.wait_indirect_dma semaphore(%dma_wait3A_176 : memref<!tpu.dma_semaphore, #tpu.memory_space<semaphore_mem>>) src(%dma_wait3A_174 : memref<10000x128xf32, #tpu.memory_space<hbm>>) dst(%arg11 : memref<64x128xf32, #tpu.memory_space<vmem>>)
      %mul3A_177 = arith.constant 64 : i32
      %mul3A_178 = arith.muli %add3A_167, %mul3A_177 : i32
      %dma_start3A_179 = arith.constant 4 : i32
      %dma_start3A_180 = tpu.memref_slice %arg9[%mul3A_178] : memref<10000xi32, #tpu.memory_space<vmem>> -> memref<64xi32, #tpu.memory_space<vmem>>
      %dma_start3A_181 = arith.constant 0 : i32
      %dma_start3A_182 = arith.constant 0 : i32
      %dma_start3A_183 = tpu.memref_slice %arg7[%dma_start3A_181, %dma_start3A_182] : memref<10112x128xf32, #tpu.memory_space<vmem_shared>> -> memref<10112x128xf32, #tpu.memory_space<vmem_shared>>
      %dma_start3A_184 = tpu.memref_slice %arg13[%dma_start3A_179] : memref<9x!tpu.dma_semaphore, #tpu.memory_space<semaphore_mem>> -> memref<1x!tpu.dma_semaphore, #tpu.memory_space<semaphore_mem>>
      %dma_start3A_185 = tpu.memref_squeeze %dma_start3A_184 : memref<1x!tpu.dma_semaphore, #tpu.memory_space<semaphore_mem>> -> memref<!tpu.dma_semaphore, #tpu.memory_space<semaphore_mem>>
      tpu.enqueue_indirect_dma source(%arg11 : memref<64x128xf32, #tpu.memory_space<vmem>>) target(%dma_start3A_183 : memref<10112x128xf32, #tpu.memory_space<vmem_shared>>) offsets(%dma_start3A_180 : memref<64xi32, #tpu.memory_space<vmem>>) semaphore(%dma_start3A_185 : memref<!tpu.dma_semaphore, #tpu.memory_space<semaphore_mem>>) {add = true}
      %add3A_186 = arith.constant 2 : i32
      %add3A_187 = arith.addi %mul3A_145, %add3A_186 : i32
      %mul3A_188 = arith.constant 64 : i32
      %mul3A_189 = arith.muli %add3A_187, %mul3A_188 : i32
      %dma_wait3A_190 = arith.constant 2 : i32
      %dma_wait3A_191 = tpu.memref_slice %arg8[%mul3A_189] : memref<10000xi32, #tpu.memory_space<vmem>> -> memref<64xi32, #tpu.memory_space<vmem>>
      %dma_wait3A_192 = arith.constant 0 : i32
      %dma_wait3A_193 = arith.constant 0 : i32
      %dma_wait3A_194 = tpu.memref_slice %arg2[%dma_wait3A_192, %dma_wait3A_193] : memref<10000x128xf32, #tpu.memory_space<hbm>> -> memref<10000x128xf32, #tpu.memory_space<hbm>>
      %dma_wait3A_195 = tpu.memref_slice %arg13[%dma_wait3A_190] : memref<9x!tpu.dma_semaphore, #tpu.memory_space<semaphore_mem>> -> memref<1x!tpu.dma_semaphore, #tpu.memory_space<semaphore_mem>>
      %dma_wait3A_196 = tpu.memref_squeeze %dma_wait3A_195 : memref<1x!tpu.dma_semaphore, #tpu.memory_space<semaphore_mem>> -> memref<!tpu.dma_semaphore, #tpu.memory_space<semaphore_mem>>
      tpu.wait_indirect_dma semaphore(%dma_wait3A_196 : memref<!tpu.dma_semaphore, #tpu.memory_space<semaphore_mem>>) src(%dma_wait3A_194 : memref<10000x128xf32, #tpu.memory_space<hbm>>) dst(%arg12 : memref<64x128xf32, #tpu.memory_space<vmem>>)
      %mul3A_197 = arith.constant 64 : i32
      %mul3A_198 = arith.muli %add3A_187, %mul3A_197 : i32
      %dma_start3A_199 = arith.constant 5 : i32
      %dma_start3A_200 = tpu.memref_slice %arg9[%mul3A_198] : memref<10000xi32, #tpu.memory_space<vmem>> -> memref<64xi32, #tpu.memory_space<vmem>>
      %dma_start3A_201 = arith.constant 0 : i32
      %dma_start3A_202 = arith.constant 0 : i32
      %dma_start3A_203 = tpu.memref_slice %arg7[%dma_start3A_201, %dma_start3A_202] : memref<10112x128xf32, #tpu.memory_space<vmem_shared>> -> memref<10112x128xf32, #tpu.memory_space<vmem_shared>>
      %dma_start3A_204 = tpu.memref_slice %arg13[%dma_start3A_199] : memref<9x!tpu.dma_semaphore, #tpu.memory_space<semaphore_mem>> -> memref<1x!tpu.dma_semaphore, #tpu.memory_space<semaphore_mem>>
      %dma_start3A_205 = tpu.memref_squeeze %dma_start3A_204 : memref<1x!tpu.dma_semaphore, #tpu.memory_space<semaphore_mem>> -> memref<!tpu.dma_semaphore, #tpu.memory_space<semaphore_mem>>
      tpu.enqueue_indirect_dma source(%arg12 : memref<64x128xf32, #tpu.memory_space<vmem>>) target(%dma_start3A_203 : memref<10112x128xf32, #tpu.memory_space<vmem_shared>>) offsets(%dma_start3A_200 : memref<64xi32, #tpu.memory_space<vmem>>) semaphore(%dma_start3A_205 : memref<!tpu.dma_semaphore, #tpu.memory_space<semaphore_mem>>) {add = true}
      %dma_wait3A_206 = arith.constant 3 : i32
      %dma_wait3A_207 = tpu.memref_slice %arg9[%mul3A_158] : memref<10000xi32, #tpu.memory_space<vmem>> -> memref<64xi32, #tpu.memory_space<vmem>>
      %dma_wait3A_208 = arith.constant 0 : i32
      %dma_wait3A_209 = arith.constant 0 : i32
      %dma_wait3A_210 = tpu.memref_slice %arg7[%dma_wait3A_208, %dma_wait3A_209] : memref<10112x128xf32, #tpu.memory_space<vmem_shared>> -> memref<10112x128xf32, #tpu.memory_space<vmem_shared>>
      %dma_wait3A_211 = tpu.memref_slice %arg13[%dma_wait3A_206] : memref<9x!tpu.dma_semaphore, #tpu.memory_space<semaphore_mem>> -> memref<1x!tpu.dma_semaphore, #tpu.memory_space<semaphore_mem>>
      %dma_wait3A_212 = tpu.memref_squeeze %dma_wait3A_211 : memref<1x!tpu.dma_semaphore, #tpu.memory_space<semaphore_mem>> -> memref<!tpu.dma_semaphore, #tpu.memory_space<semaphore_mem>>
      tpu.wait_indirect_dma semaphore(%dma_wait3A_212 : memref<!tpu.dma_semaphore, #tpu.memory_space<semaphore_mem>>) src(%arg10 : memref<64x128xf32, #tpu.memory_space<vmem>>) dst(%dma_wait3A_210 : memref<10112x128xf32, #tpu.memory_space<vmem_shared>>)
      %add3A_213 = arith.constant 0 : i32
      %add3A_214 = arith.addi %mul3A_145, %add3A_213 : i32
      %add3A_215 = arith.constant 3 : i32
      %add3A_216 = arith.addi %add3A_214, %add3A_215 : i32
      %mul3A_217 = arith.constant 64 : i32
      %mul3A_218 = arith.muli %add3A_216, %mul3A_217 : i32
      %dma_start3A_219 = arith.constant 0 : i32
      %dma_start3A_220 = tpu.memref_slice %arg8[%mul3A_218] : memref<10000xi32, #tpu.memory_space<vmem>> -> memref<64xi32, #tpu.memory_space<vmem>>
      %dma_start3A_221 = arith.constant 0 : i32
      %dma_start3A_222 = arith.constant 0 : i32
      %dma_start3A_223 = tpu.memref_slice %arg2[%dma_start3A_221, %dma_start3A_222] : memref<10000x128xf32, #tpu.memory_space<hbm>> -> memref<10000x128xf32, #tpu.memory_space<hbm>>
      %dma_start3A_224 = tpu.memref_slice %arg13[%dma_start3A_219] : memref<9x!tpu.dma_semaphore, #tpu.memory_space<semaphore_mem>> -> memref<1x!tpu.dma_semaphore, #tpu.memory_space<semaphore_mem>>
      %dma_start3A_225 = tpu.memref_squeeze %dma_start3A_224 : memref<1x!tpu.dma_semaphore, #tpu.memory_space<semaphore_mem>> -> memref<!tpu.dma_semaphore, #tpu.memory_space<semaphore_mem>>
      tpu.enqueue_indirect_dma source(%dma_start3A_223 : memref<10000x128xf32, #tpu.memory_space<hbm>>) target(%arg10 : memref<64x128xf32, #tpu.memory_space<vmem>>) offsets(%dma_start3A_220 : memref<64xi32, #tpu.memory_space<vmem>>) semaphore(%dma_start3A_225 : memref<!tpu.dma_semaphore, #tpu.memory_space<semaphore_mem>>)
      %dma_wait3A_226 = arith.constant 4 : i32
      %dma_wait3A_227 = tpu.memref_slice %arg9[%mul3A_178] : memref<10000xi32, #tpu.memory_space<vmem>> -> memref<64xi32, #tpu.memory_space<vmem>>
      %dma_wait3A_228 = arith.constant 0 : i32
      %dma_wait3A_229 = arith.constant 0 : i32
      %dma_wait3A_230 = tpu.memref_slice %arg7[%dma_wait3A_228, %dma_wait3A_229] : memref<10112x128xf32, #tpu.memory_space<vmem_shared>> -> memref<10112x128xf32, #tpu.memory_space<vmem_shared>>
      %dma_wait3A_231 = tpu.memref_slice %arg13[%dma_wait3A_226] : memref<9x!tpu.dma_semaphore, #tpu.memory_space<semaphore_mem>> -> memref<1x!tpu.dma_semaphore, #tpu.memory_space<semaphore_mem>>
      %dma_wait3A_232 = tpu.memref_squeeze %dma_wait3A_231 : memref<1x!tpu.dma_semaphore, #tpu.memory_space<semaphore_mem>> -> memref<!tpu.dma_semaphore, #tpu.memory_space<semaphore_mem>>
      tpu.wait_indirect_dma semaphore(%dma_wait3A_232 : memref<!tpu.dma_semaphore, #tpu.memory_space<semaphore_mem>>) src(%arg11 : memref<64x128xf32, #tpu.memory_space<vmem>>) dst(%dma_wait3A_230 : memref<10112x128xf32, #tpu.memory_space<vmem_shared>>)
      %add3A_233 = arith.constant 1 : i32
      %add3A_234 = arith.addi %mul3A_145, %add3A_233 : i32
      %add3A_235 = arith.constant 3 : i32
      %add3A_236 = arith.addi %add3A_234, %add3A_235 : i32
      %mul3A_237 = arith.constant 64 : i32
      %mul3A_238 = arith.muli %add3A_236, %mul3A_237 : i32
      %dma_start3A_239 = arith.constant 1 : i32
      %dma_start3A_240 = tpu.memref_slice %arg8[%mul3A_238] : memref<10000xi32, #tpu.memory_space<vmem>> -> memref<64xi32, #tpu.memory_space<vmem>>
      %dma_start3A_241 = arith.constant 0 : i32
      %dma_start3A_242 = arith.constant 0 : i32
      %dma_start3A_243 = tpu.memref_slice %arg2[%dma_start3A_241, %dma_start3A_242] : memref<10000x128xf32, #tpu.memory_space<hbm>> -> memref<10000x128xf32, #tpu.memory_space<hbm>>
      %dma_start3A_244 = tpu.memref_slice %arg13[%dma_start3A_239] : memref<9x!tpu.dma_semaphore, #tpu.memory_space<semaphore_mem>> -> memref<1x!tpu.dma_semaphore, #tpu.memory_space<semaphore_mem>>
      %dma_start3A_245 = tpu.memref_squeeze %dma_start3A_244 : memref<1x!tpu.dma_semaphore, #tpu.memory_space<semaphore_mem>> -> memref<!tpu.dma_semaphore, #tpu.memory_space<semaphore_mem>>
      tpu.enqueue_indirect_dma source(%dma_start3A_243 : memref<10000x128xf32, #tpu.memory_space<hbm>>) target(%arg11 : memref<64x128xf32, #tpu.memory_space<vmem>>) offsets(%dma_start3A_240 : memref<64xi32, #tpu.memory_space<vmem>>) semaphore(%dma_start3A_245 : memref<!tpu.dma_semaphore, #tpu.memory_space<semaphore_mem>>)
      %dma_wait3A_246 = arith.constant 5 : i32
      %dma_wait3A_247 = tpu.memref_slice %arg9[%mul3A_198] : memref<10000xi32, #tpu.memory_space<vmem>> -> memref<64xi32, #tpu.memory_space<vmem>>
      %dma_wait3A_248 = arith.constant 0 : i32
      %dma_wait3A_249 = arith.constant 0 : i32
      %dma_wait3A_250 = tpu.memref_slice %arg7[%dma_wait3A_248, %dma_wait3A_249] : memref<10112x128xf32, #tpu.memory_space<vmem_shared>> -> memref<10112x128xf32, #tpu.memory_space<vmem_shared>>
      %dma_wait3A_251 = tpu.memref_slice %arg13[%dma_wait3A_246] : memref<9x!tpu.dma_semaphore, #tpu.memory_space<semaphore_mem>> -> memref<1x!tpu.dma_semaphore, #tpu.memory_space<semaphore_mem>>
      %dma_wait3A_252 = tpu.memref_squeeze %dma_wait3A_251 : memref<1x!tpu.dma_semaphore, #tpu.memory_space<semaphore_mem>> -> memref<!tpu.dma_semaphore, #tpu.memory_space<semaphore_mem>>
      tpu.wait_indirect_dma semaphore(%dma_wait3A_252 : memref<!tpu.dma_semaphore, #tpu.memory_space<semaphore_mem>>) src(%arg12 : memref<64x128xf32, #tpu.memory_space<vmem>>) dst(%dma_wait3A_250 : memref<10112x128xf32, #tpu.memory_space<vmem_shared>>)
      %add3A_253 = arith.constant 2 : i32
      %add3A_254 = arith.addi %mul3A_145, %add3A_253 : i32
      %add3A_255 = arith.constant 3 : i32
      %add3A_256 = arith.addi %add3A_254, %add3A_255 : i32
      %mul3A_257 = arith.constant 64 : i32
      %mul3A_258 = arith.muli %add3A_256, %mul3A_257 : i32
      %dma_start3A_259 = arith.constant 2 : i32
      %dma_start3A_260 = tpu.memref_slice %arg8[%mul3A_258] : memref<10000xi32, #tpu.memory_space<vmem>> -> memref<64xi32, #tpu.memory_space<vmem>>
      %dma_start3A_261 = arith.constant 0 : i32
      %dma_start3A_262 = arith.constant 0 : i32
      %dma_start3A_263 = tpu.memref_slice %arg2[%dma_start3A_261, %dma_start3A_262] : memref<10000x128xf32, #tpu.memory_space<hbm>> -> memref<10000x128xf32, #tpu.memory_space<hbm>>
      %dma_start3A_264 = tpu.memref_slice %arg13[%dma_start3A_259] : memref<9x!tpu.dma_semaphore, #tpu.memory_space<semaphore_mem>> -> memref<1x!tpu.dma_semaphore, #tpu.memory_space<semaphore_mem>>
      %dma_start3A_265 = tpu.memref_squeeze %dma_start3A_264 : memref<1x!tpu.dma_semaphore, #tpu.memory_space<semaphore_mem>> -> memref<!tpu.dma_semaphore, #tpu.memory_space<semaphore_mem>>
      tpu.enqueue_indirect_dma source(%dma_start3A_263 : memref<10000x128xf32, #tpu.memory_space<hbm>>) target(%arg12 : memref<64x128xf32, #tpu.memory_space<vmem>>) offsets(%dma_start3A_260 : memref<64xi32, #tpu.memory_space<vmem>>) semaphore(%dma_start3A_265 : memref<!tpu.dma_semaphore, #tpu.memory_space<semaphore_mem>>)
    }
    %scan3A_60 = arith.constant 51 : i32
    %dma_wait3A_61 = arith.constant 0 : i32
    %dma_wait3A_62 = arith.constant 9792 : i32
    %dma_wait3A_63 = tpu.memref_slice %arg8[%dma_wait3A_62] : memref<10000xi32, #tpu.memory_space<vmem>> -> memref<64xi32, #tpu.memory_space<vmem>>
    %dma_wait3A_64 = arith.constant 0 : i32
    %dma_wait3A_65 = arith.constant 0 : i32
    %dma_wait3A_66 = tpu.memref_slice %arg2[%dma_wait3A_64, %dma_wait3A_65] : memref<10000x128xf32, #tpu.memory_space<hbm>> -> memref<10000x128xf32, #tpu.memory_space<hbm>>
    %dma_wait3A_67 = tpu.memref_slice %arg13[%dma_wait3A_61] : memref<9x!tpu.dma_semaphore, #tpu.memory_space<semaphore_mem>> -> memref<1x!tpu.dma_semaphore, #tpu.memory_space<semaphore_mem>>
    %dma_wait3A_68 = tpu.memref_squeeze %dma_wait3A_67 : memref<1x!tpu.dma_semaphore, #tpu.memory_space<semaphore_mem>> -> memref<!tpu.dma_semaphore, #tpu.memory_space<semaphore_mem>>
    tpu.wait_indirect_dma semaphore(%dma_wait3A_68 : memref<!tpu.dma_semaphore, #tpu.memory_space<semaphore_mem>>) src(%dma_wait3A_66 : memref<10000x128xf32, #tpu.memory_space<hbm>>) dst(%arg10 : memref<64x128xf32, #tpu.memory_space<vmem>>)
    %dma_start3A_69 = arith.constant 3 : i32
    %dma_start3A_70 = arith.constant 9792 : i32
    %dma_start3A_71 = tpu.memref_slice %arg9[%dma_start3A_70] : memref<10000xi32, #tpu.memory_space<vmem>> -> memref<64xi32, #tpu.memory_space<vmem>>
    %dma_start3A_72 = arith.constant 0 : i32
    %dma_start3A_73 = arith.constant 0 : i32
    %dma_start3A_74 = tpu.memref_slice %arg7[%dma_start3A_72, %dma_start3A_73] : memref<10112x128xf32, #tpu.memory_space<vmem_shared>> -> memref<10112x128xf32, #tpu.memory_space<vmem_shared>>
    %dma_start3A_75 = tpu.memref_slice %arg13[%dma_start3A_69] : memref<9x!tpu.dma_semaphore, #tpu.memory_space<semaphore_mem>> -> memref<1x!tpu.dma_semaphore, #tpu.memory_space<semaphore_mem>>
    %dma_start3A_76 = tpu.memref_squeeze %dma_start3A_75 : memref<1x!tpu.dma_semaphore, #tpu.memory_space<semaphore_mem>> -> memref<!tpu.dma_semaphore, #tpu.memory_space<semaphore_mem>>
    tpu.enqueue_indirect_dma source(%arg10 : memref<64x128xf32, #tpu.memory_space<vmem>>) target(%dma_start3A_74 : memref<10112x128xf32, #tpu.memory_space<vmem_shared>>) offsets(%dma_start3A_71 : memref<64xi32, #tpu.memory_space<vmem>>) semaphore(%dma_start3A_76 : memref<!tpu.dma_semaphore, #tpu.memory_space<semaphore_mem>>) {add = true}
    %dma_wait3A_77 = arith.constant 3 : i32
    %dma_wait3A_78 = arith.constant 9792 : i32
    %dma_wait3A_79 = tpu.memref_slice %arg9[%dma_wait3A_78] : memref<10000xi32, #tpu.memory_space<vmem>> -> memref<64xi32, #tpu.memory_space<vmem>>
    %dma_wait3A_80 = arith.constant 0 : i32
    %dma_wait3A_81 = arith.constant 0 : i32
    %dma_wait3A_82 = tpu.memref_slice %arg7[%dma_wait3A_80, %dma_wait3A_81] : memref<10112x128xf32, #tpu.memory_space<vmem_shared>> -> memref<10112x128xf32, #tpu.memory_space<vmem_shared>>
    %dma_wait3A_83 = tpu.memref_slice %arg13[%dma_wait3A_77] : memref<9x!tpu.dma_semaphore, #tpu.memory_space<semaphore_mem>> -> memref<1x!tpu.dma_semaphore, #tpu.memory_space<semaphore_mem>>
    %dma_wait3A_84 = tpu.memref_squeeze %dma_wait3A_83 : memref<1x!tpu.dma_semaphore, #tpu.memory_space<semaphore_mem>> -> memref<!tpu.dma_semaphore, #tpu.memory_space<semaphore_mem>>
    tpu.wait_indirect_dma semaphore(%dma_wait3A_84 : memref<!tpu.dma_semaphore, #tpu.memory_space<semaphore_mem>>) src(%arg10 : memref<64x128xf32, #tpu.memory_space<vmem>>) dst(%dma_wait3A_82 : memref<10112x128xf32, #tpu.memory_space<vmem_shared>>)
    %dma_wait3A_85 = arith.constant 1 : i32
    %dma_wait3A_86 = arith.constant 9856 : i32
    %dma_wait3A_87 = tpu.memref_slice %arg8[%dma_wait3A_86] : memref<10000xi32, #tpu.memory_space<vmem>> -> memref<64xi32, #tpu.memory_space<vmem>>
    %dma_wait3A_88 = arith.constant 0 : i32
    %dma_wait3A_89 = arith.constant 0 : i32
    %dma_wait3A_90 = tpu.memref_slice %arg2[%dma_wait3A_88, %dma_wait3A_89] : memref<10000x128xf32, #tpu.memory_space<hbm>> -> memref<10000x128xf32, #tpu.memory_space<hbm>>
    %dma_wait3A_91 = tpu.memref_slice %arg13[%dma_wait3A_85] : memref<9x!tpu.dma_semaphore, #tpu.memory_space<semaphore_mem>> -> memref<1x!tpu.dma_semaphore, #tpu.memory_space<semaphore_mem>>
    %dma_wait3A_92 = tpu.memref_squeeze %dma_wait3A_91 : memref<1x!tpu.dma_semaphore, #tpu.memory_space<semaphore_mem>> -> memref<!tpu.dma_semaphore, #tpu.memory_space<semaphore_mem>>
    tpu.wait_indirect_dma semaphore(%dma_wait3A_92 : memref<!tpu.dma_semaphore, #tpu.memory_space<semaphore_mem>>) src(%dma_wait3A_90 : memref<10000x128xf32, #tpu.memory_space<hbm>>) dst(%arg11 : memref<64x128xf32, #tpu.memory_space<vmem>>)
    %dma_start3A_93 = arith.constant 4 : i32
    %dma_start3A_94 = arith.constant 9856 : i32
    %dma_start3A_95 = tpu.memref_slice %arg9[%dma_start3A_94] : memref<10000xi32, #tpu.memory_space<vmem>> -> memref<64xi32, #tpu.memory_space<vmem>>
    %dma_start3A_96 = arith.constant 0 : i32
    %dma_start3A_97 = arith.constant 0 : i32
    %dma_start3A_98 = tpu.memref_slice %arg7[%dma_start3A_96, %dma_start3A_97] : memref<10112x128xf32, #tpu.memory_space<vmem_shared>> -> memref<10112x128xf32, #tpu.memory_space<vmem_shared>>
    %dma_start3A_99 = tpu.memref_slice %arg13[%dma_start3A_93] : memref<9x!tpu.dma_semaphore, #tpu.memory_space<semaphore_mem>> -> memref<1x!tpu.dma_semaphore, #tpu.memory_space<semaphore_mem>>
    %dma_start3A_100 = tpu.memref_squeeze %dma_start3A_99 : memref<1x!tpu.dma_semaphore, #tpu.memory_space<semaphore_mem>> -> memref<!tpu.dma_semaphore, #tpu.memory_space<semaphore_mem>>
    tpu.enqueue_indirect_dma source(%arg11 : memref<64x128xf32, #tpu.memory_space<vmem>>) target(%dma_start3A_98 : memref<10112x128xf32, #tpu.memory_space<vmem_shared>>) offsets(%dma_start3A_95 : memref<64xi32, #tpu.memory_space<vmem>>) semaphore(%dma_start3A_100 : memref<!tpu.dma_semaphore, #tpu.memory_space<semaphore_mem>>) {add = true}
    %dma_wait3A_101 = arith.constant 4 : i32
    %dma_wait3A_102 = arith.constant 9856 : i32
    %dma_wait3A_103 = tpu.memref_slice %arg9[%dma_wait3A_102] : memref<10000xi32, #tpu.memory_space<vmem>> -> memref<64xi32, #tpu.memory_space<vmem>>
    %dma_wait3A_104 = arith.constant 0 : i32
    %dma_wait3A_105 = arith.constant 0 : i32
    %dma_wait3A_106 = tpu.memref_slice %arg7[%dma_wait3A_104, %dma_wait3A_105] : memref<10112x128xf32, #tpu.memory_space<vmem_shared>> -> memref<10112x128xf32, #tpu.memory_space<vmem_shared>>
    %dma_wait3A_107 = tpu.memref_slice %arg13[%dma_wait3A_101] : memref<9x!tpu.dma_semaphore, #tpu.memory_space<semaphore_mem>> -> memref<1x!tpu.dma_semaphore, #tpu.memory_space<semaphore_mem>>
    %dma_wait3A_108 = tpu.memref_squeeze %dma_wait3A_107 : memref<1x!tpu.dma_semaphore, #tpu.memory_space<semaphore_mem>> -> memref<!tpu.dma_semaphore, #tpu.memory_space<semaphore_mem>>
    tpu.wait_indirect_dma semaphore(%dma_wait3A_108 : memref<!tpu.dma_semaphore, #tpu.memory_space<semaphore_mem>>) src(%arg11 : memref<64x128xf32, #tpu.memory_space<vmem>>) dst(%dma_wait3A_106 : memref<10112x128xf32, #tpu.memory_space<vmem_shared>>)
    %dma_wait3A_109 = arith.constant 2 : i32
    %dma_wait3A_110 = arith.constant 9920 : i32
    %dma_wait3A_111 = tpu.memref_slice %arg8[%dma_wait3A_110] : memref<10000xi32, #tpu.memory_space<vmem>> -> memref<64xi32, #tpu.memory_space<vmem>>
    %dma_wait3A_112 = arith.constant 0 : i32
    %dma_wait3A_113 = arith.constant 0 : i32
    %dma_wait3A_114 = tpu.memref_slice %arg2[%dma_wait3A_112, %dma_wait3A_113] : memref<10000x128xf32, #tpu.memory_space<hbm>> -> memref<10000x128xf32, #tpu.memory_space<hbm>>
    %dma_wait3A_115 = tpu.memref_slice %arg13[%dma_wait3A_109] : memref<9x!tpu.dma_semaphore, #tpu.memory_space<semaphore_mem>> -> memref<1x!tpu.dma_semaphore, #tpu.memory_space<semaphore_mem>>
    %dma_wait3A_116 = tpu.memref_squeeze %dma_wait3A_115 : memref<1x!tpu.dma_semaphore, #tpu.memory_space<semaphore_mem>> -> memref<!tpu.dma_semaphore, #tpu.memory_space<semaphore_mem>>
    tpu.wait_indirect_dma semaphore(%dma_wait3A_116 : memref<!tpu.dma_semaphore, #tpu.memory_space<semaphore_mem>>) src(%dma_wait3A_114 : memref<10000x128xf32, #tpu.memory_space<hbm>>) dst(%arg12 : memref<64x128xf32, #tpu.memory_space<vmem>>)
    %dma_start3A_117 = arith.constant 5 : i32
    %dma_start3A_118 = arith.constant 9920 : i32
    %dma_start3A_119 = tpu.memref_slice %arg9[%dma_start3A_118] : memref<10000xi32, #tpu.memory_space<vmem>> -> memref<64xi32, #tpu.memory_space<vmem>>
    %dma_start3A_120 = arith.constant 0 : i32
    %dma_start3A_121 = arith.constant 0 : i32
    %dma_start3A_122 = tpu.memref_slice %arg7[%dma_start3A_120, %dma_start3A_121] : memref<10112x128xf32, #tpu.memory_space<vmem_shared>> -> memref<10112x128xf32, #tpu.memory_space<vmem_shared>>
    %dma_start3A_123 = tpu.memref_slice %arg13[%dma_start3A_117] : memref<9x!tpu.dma_semaphore, #tpu.memory_space<semaphore_mem>> -> memref<1x!tpu.dma_semaphore, #tpu.memory_space<semaphore_mem>>
    %dma_start3A_124 = tpu.memref_squeeze %dma_start3A_123 : memref<1x!tpu.dma_semaphore, #tpu.memory_space<semaphore_mem>> -> memref<!tpu.dma_semaphore, #tpu.memory_space<semaphore_mem>>
    tpu.enqueue_indirect_dma source(%arg12 : memref<64x128xf32, #tpu.memory_space<vmem>>) target(%dma_start3A_122 : memref<10112x128xf32, #tpu.memory_space<vmem_shared>>) offsets(%dma_start3A_119 : memref<64xi32, #tpu.memory_space<vmem>>) semaphore(%dma_start3A_124 : memref<!tpu.dma_semaphore, #tpu.memory_space<semaphore_mem>>) {add = true}
    %dma_wait3A_125 = arith.constant 5 : i32
    %dma_wait3A_126 = arith.constant 9920 : i32
    %dma_wait3A_127 = tpu.memref_slice %arg9[%dma_wait3A_126] : memref<10000xi32, #tpu.memory_space<vmem>> -> memref<64xi32, #tpu.memory_space<vmem>>
    %dma_wait3A_128 = arith.constant 0 : i32
    %dma_wait3A_129 = arith.constant 0 : i32
    %dma_wait3A_130 = tpu.memref_slice %arg7[%dma_wait3A_128, %dma_wait3A_129] : memref<10112x128xf32, #tpu.memory_space<vmem_shared>> -> memref<10112x128xf32, #tpu.memory_space<vmem_shared>>
    %dma_wait3A_131 = tpu.memref_slice %arg13[%dma_wait3A_125] : memref<9x!tpu.dma_semaphore, #tpu.memory_space<semaphore_mem>> -> memref<1x!tpu.dma_semaphore, #tpu.memory_space<semaphore_mem>>
    %dma_wait3A_132 = tpu.memref_squeeze %dma_wait3A_131 : memref<1x!tpu.dma_semaphore, #tpu.memory_space<semaphore_mem>> -> memref<!tpu.dma_semaphore, #tpu.memory_space<semaphore_mem>>
    tpu.wait_indirect_dma semaphore(%dma_wait3A_132 : memref<!tpu.dma_semaphore, #tpu.memory_space<semaphore_mem>>) src(%arg12 : memref<64x128xf32, #tpu.memory_space<vmem>>) dst(%dma_wait3A_130 : memref<10112x128xf32, #tpu.memory_space<vmem_shared>>)
    "tpu.region"() ({
      %run_scoped3A = tpu.sem_alloc : memref<!tpu.dma_semaphore, #tpu.memory_space<semaphore_mem>>
      %dma_start3A_139 = arith.constant 0 : i32
      %dma_start3A_140 = arith.constant 0 : i32
      %dma_start3A_141 = tpu.memref_slice %arg10[%dma_start3A_139, %dma_start3A_140] : memref<64x128xf32, #tpu.memory_space<vmem>> -> memref<16x128xf32, #tpu.memory_space<vmem>>
      %dma_start3A_142 = arith.constant 9984 : i32
      %dma_start3A_143 = tpu.memref_slice %arg8[%dma_start3A_142] : memref<10000xi32, #tpu.memory_space<vmem>> -> memref<16xi32, #tpu.memory_space<vmem>>
      %dma_start3A_144 = arith.constant 0 : i32
      %dma_start3A_145 = arith.constant 0 : i32
      %dma_start3A_146 = tpu.memref_slice %arg2[%dma_start3A_144, %dma_start3A_145] : memref<10000x128xf32, #tpu.memory_space<hbm>> -> memref<10000x128xf32, #tpu.memory_space<hbm>>
      tpu.enqueue_indirect_dma source(%dma_start3A_146 : memref<10000x128xf32, #tpu.memory_space<hbm>>) target(%dma_start3A_141 : memref<16x128xf32, #tpu.memory_space<vmem>>) offsets(%dma_start3A_143 : memref<16xi32, #tpu.memory_space<vmem>>) semaphore(%run_scoped3A : memref<!tpu.dma_semaphore, #tpu.memory_space<semaphore_mem>>)
      %dma_wait3A_147 = arith.constant 0 : i32
      %dma_wait3A_148 = arith.constant 0 : i32
      %dma_wait3A_149 = tpu.memref_slice %arg10[%dma_wait3A_147, %dma_wait3A_148] : memref<64x128xf32, #tpu.memory_space<vmem>> -> memref<16x128xf32, #tpu.memory_space<vmem>>
      %dma_wait3A_150 = arith.constant 9984 : i32
      %dma_wait3A_151 = tpu.memref_slice %arg8[%dma_wait3A_150] : memref<10000xi32, #tpu.memory_space<vmem>> -> memref<16xi32, #tpu.memory_space<vmem>>
      %dma_wait3A_152 = arith.constant 0 : i32
      %dma_wait3A_153 = arith.constant 0 : i32
      %dma_wait3A_154 = tpu.memref_slice %arg2[%dma_wait3A_152, %dma_wait3A_153] : memref<10000x128xf32, #tpu.memory_space<hbm>> -> memref<10000x128xf32, #tpu.memory_space<hbm>>
      tpu.wait_indirect_dma semaphore(%run_scoped3A : memref<!tpu.dma_semaphore, #tpu.memory_space<semaphore_mem>>) src(%dma_wait3A_154 : memref<10000x128xf32, #tpu.memory_space<hbm>>) dst(%dma_wait3A_149 : memref<16x128xf32, #tpu.memory_space<vmem>>)
      tpu.yield
    }) : () -> ()
    "tpu.region"() ({
      %run_scoped3A = tpu.sem_alloc : memref<!tpu.dma_semaphore, #tpu.memory_space<semaphore_mem>>
      %dma_start3A_139 = arith.constant 0 : i32
      %dma_start3A_140 = arith.constant 0 : i32
      %dma_start3A_141 = tpu.memref_slice %arg10[%dma_start3A_139, %dma_start3A_140] : memref<64x128xf32, #tpu.memory_space<vmem>> -> memref<16x128xf32, #tpu.memory_space<vmem>>
      %dma_start3A_142 = arith.constant 9984 : i32
      %dma_start3A_143 = tpu.memref_slice %arg9[%dma_start3A_142] : memref<10000xi32, #tpu.memory_space<vmem>> -> memref<16xi32, #tpu.memory_space<vmem>>
      %dma_start3A_144 = arith.constant 0 : i32
      %dma_start3A_145 = arith.constant 0 : i32
      %dma_start3A_146 = tpu.memref_slice %arg7[%dma_start3A_144, %dma_start3A_145] : memref<10112x128xf32, #tpu.memory_space<vmem_shared>> -> memref<10112x128xf32, #tpu.memory_space<vmem_shared>>
      tpu.enqueue_indirect_dma source(%dma_start3A_141 : memref<16x128xf32, #tpu.memory_space<vmem>>) target(%dma_start3A_146 : memref<10112x128xf32, #tpu.memory_space<vmem_shared>>) offsets(%dma_start3A_143 : memref<16xi32, #tpu.memory_space<vmem>>) semaphore(%run_scoped3A : memref<!tpu.dma_semaphore, #tpu.memory_space<semaphore_mem>>) {add = true}
      %dma_wait3A_147 = arith.constant 0 : i32
      %dma_wait3A_148 = arith.constant 0 : i32
      %dma_wait3A_149 = tpu.memref_slice %arg10[%dma_wait3A_147, %dma_wait3A_148] : memref<64x128xf32, #tpu.memory_space<vmem>> -> memref<16x128xf32, #tpu.memory_space<vmem>>
      %dma_wait3A_150 = arith.constant 9984 : i32
      %dma_wait3A_151 = tpu.memref_slice %arg9[%dma_wait3A_150] : memref<10000xi32, #tpu.memory_space<vmem>> -> memref<16xi32, #tpu.memory_space<vmem>>
      %dma_wait3A_152 = arith.constant 0 : i32
      %dma_wait3A_153 = arith.constant 0 : i32
      %dma_wait3A_154 = tpu.memref_slice %arg7[%dma_wait3A_152, %dma_wait3A_153] : memref<10112x128xf32, #tpu.memory_space<vmem_shared>> -> memref<10112x128xf32, #tpu.memory_space<vmem_shared>>
      tpu.wait_indirect_dma semaphore(%run_scoped3A : memref<!tpu.dma_semaphore, #tpu.memory_space<semaphore_mem>>) src(%dma_wait3A_149 : memref<16x128xf32, #tpu.memory_space<vmem>>) dst(%dma_wait3A_154 : memref<10112x128xf32, #tpu.memory_space<vmem_shared>>)
      tpu.yield
    }) : () -> ()
    %barrier3A_133 = arith.constant 0 : index
    tpu.barrier barrier_id(%barrier3A_133)
    %barrier3A_134 = arith.constant 0 : index
    tpu.barrier barrier_id(%barrier3A_134)
    %mul3A_135 = arith.constant 632 : i32
    %mul3A_136 = arith.muli %arg1, %mul3A_135 : i32
    %mul3A_137 = arith.constant 632 : i32
    %mul3A_138 = arith.muli %arg1, %mul3A_137 : i32
    "tpu.region"() ({
      %run_scoped3A = tpu.sem_alloc : memref<!tpu.dma_semaphore, #tpu.memory_space<semaphore_mem>>
      %dma_start3A_139 = arith.constant 0 : i32
      %dma_start3A_140 = tpu.memref_slice %arg6[%arg0, %mul3A_138, %dma_start3A_139] : memref<2x10112x128xf32, #tpu.memory_space<hbm>> -> memref<1x632x128xf32, #tpu.memory_space<hbm>>
      %dma_start3A_141 = tpu.memref_squeeze %dma_start3A_140 : memref<1x632x128xf32, #tpu.memory_space<hbm>> -> memref<632x128xf32, #tpu.memory_space<hbm>>
      %dma_start3A_142 = arith.constant 0 : i32
      %dma_start3A_143 = tpu.memref_slice %arg7[%mul3A_136, %dma_start3A_142] : memref<10112x128xf32, #tpu.memory_space<vmem_shared>> -> memref<632x128xf32, #tpu.memory_space<vmem_shared>>
      tpu.enqueue_dma source(%dma_start3A_143 : memref<632x128xf32, #tpu.memory_space<vmem_shared>>) target(%dma_start3A_141 : memref<632x128xf32, #tpu.memory_space<hbm>>) target_semaphore(%run_scoped3A : memref<!tpu.dma_semaphore, #tpu.memory_space<semaphore_mem>>)
      %dma_wait3A_144 = arith.constant 0 : i32
      %dma_wait3A_145 = tpu.memref_slice %arg6[%arg0, %mul3A_138, %dma_wait3A_144] : memref<2x10112x128xf32, #tpu.memory_space<hbm>> -> memref<1x632x128xf32, #tpu.memory_space<hbm>>
      %dma_wait3A_146 = tpu.memref_squeeze %dma_wait3A_145 : memref<1x632x128xf32, #tpu.memory_space<hbm>> -> memref<632x128xf32, #tpu.memory_space<hbm>>
      %dma_wait3A_147 = arith.constant 0 : i32
      %dma_wait3A_148 = tpu.memref_slice %arg7[%mul3A_136, %dma_wait3A_147] : memref<10112x128xf32, #tpu.memory_space<vmem_shared>> -> memref<632x128xf32, #tpu.memory_space<vmem_shared>>
      tpu.wait_dma2 semaphore(%run_scoped3A : memref<!tpu.dma_semaphore, #tpu.memory_space<semaphore_mem>>) src(%dma_wait3A_148 : memref<632x128xf32, #tpu.memory_space<vmem_shared>>) dst(%dma_wait3A_146 : memref<632x128xf32, #tpu.memory_space<hbm>>)
      tpu.yield
    }) : () -> ()
    return
  }
}

#map = affine_map<(d0, d1) -> (0)>
#map1 = affine_map<(d0, d1) -> (0, 0, 0)>
module attributes {stable_mosaic.version = 14 : i64} {
  func.func @_deg_body(%arg0: i32, %arg1: i32, %arg2: memref<320000xi32, #tpu.memory_space<hbm>>, %arg3: memref<2x10112x16xf32, #tpu.memory_space<hbm>>, %arg4: memref<161792xf32, #tpu.memory_space<vmem_shared>>, %arg5: memref<10112xf32, #tpu.memory_space<vmem>>, %arg6: memref<10000xi32, #tpu.memory_space<vmem>>, %arg7: memref<640xf32, #tpu.memory_space<vmem>>, %arg8: memref<640xf32, #tpu.memory_space<vmem>>, %arg9: memref<632x16xf32, #tpu.memory_space<vmem>>) attributes {dimension_semantics = [#tpu.dimension_semantics<core_parallel>, #tpu.dimension_semantics<subcore_parallel>], iteration_bounds = array<i64: 2, 16>, scalar_prefetch = 0 : i64, scratch_operands = 6 : i64, tpu.core_type = #tpu.core_type<sc_vector_subcore>, window_params = [{transform_indices = #map}, {transform_indices = #map1}]} {
    %mul3A = arith.constant 16 : i32
    %mul3A_0 = arith.muli %arg0, %mul3A : i32
    %add3A = arith.addi %mul3A_0, %arg1 : i32
    %scan3A = arith.constant 0 : i32
    %scan3A_1 = arith.constant 632 : i32
    %scan3A_2 = arith.addi %scan3A, %scan3A_1 : i32
    %scan3A_3 = arith.constant 1 : i32
    scf.for %scan3A_33 = %scan3A to %scan3A_2 step %scan3A_3  : i32 {
      %mul3A_34 = arith.constant 1 : i32
      %mul3A_35 = arith.muli %scan3A_33, %mul3A_34 : i32
      %add3A_36 = arith.constant 0 : i32
      %add3A_37 = arith.addi %add3A_36, %mul3A_35 : i32
      %broadcast_in_dim3A = arith.constant 0.000000e+00 : f32
      %broadcast_in_dim3A_38 = vector.broadcast %broadcast_in_dim3A : f32 to vector<16xf32>
      %mul3A_39 = arith.constant 16 : i32
      %mul3A_40 = arith.muli %add3A_37, %mul3A_39 : i32
      %swap3A = arith.index_cast %mul3A_40 : i32 to index
      %swap3A_41 = tpu.vector_load %arg5[%swap3A] {strides = array<i32>} : memref<10112xf32, #tpu.memory_space<vmem>>, vector<16xf32>,
      tpu.vector_store %arg5[%swap3A], %broadcast_in_dim3A_38 {strides = array<i32>} : memref<10112xf32, #tpu.memory_space<vmem>>, vector<16xf32>,
    }
    %scan3A_4 = arith.constant 632 : i32
    %mul3A_5 = arith.constant 10000 : i32
    %mul3A_6 = arith.muli %add3A, %mul3A_5 : i32
    "tpu.region"() ({
      %run_scoped3A = tpu.sem_alloc : memref<!tpu.dma_semaphore, #tpu.memory_space<semaphore_mem>>
      %dma_start3A = tpu.memref_slice %arg2[%mul3A_6] : memref<320000xi32, #tpu.memory_space<hbm>> -> memref<10000xi32, #tpu.memory_space<hbm>>
      %dma_start3A_33 = tpu.memref_slice %arg2[%mul3A_6] : memref<320000xi32, #tpu.memory_space<hbm>> -> memref<10000xi32, #tpu.memory_space<hbm>>
      tpu.enqueue_dma source(%dma_start3A_33 : memref<10000xi32, #tpu.memory_space<hbm>>) target(%arg6 : memref<10000xi32, #tpu.memory_space<vmem>>) target_semaphore(%run_scoped3A : memref<!tpu.dma_semaphore, #tpu.memory_space<semaphore_mem>>)
      %dma_wait3A = tpu.memref_slice %arg2[%mul3A_6] : memref<320000xi32, #tpu.memory_space<hbm>> -> memref<10000xi32, #tpu.memory_space<hbm>>
      %dma_wait3A_34 = tpu.memref_slice %arg2[%mul3A_6] : memref<320000xi32, #tpu.memory_space<hbm>> -> memref<10000xi32, #tpu.memory_space<hbm>>
      tpu.wait_dma2 semaphore(%run_scoped3A : memref<!tpu.dma_semaphore, #tpu.memory_space<semaphore_mem>>) src(%dma_wait3A_34 : memref<10000xi32, #tpu.memory_space<hbm>>) dst(%arg6 : memref<10000xi32, #tpu.memory_space<vmem>>)
      tpu.yield
    }) : () -> ()
    %scan3A_7 = arith.constant 0 : i32
    %scan3A_8 = arith.constant 625 : i32
    %scan3A_9 = arith.addi %scan3A_7, %scan3A_8 : i32
    %scan3A_10 = arith.constant 1 : i32
    scf.for %scan3A_33 = %scan3A_7 to %scan3A_9 step %scan3A_10  : i32 {
      %mul3A_34 = arith.constant 1 : i32
      %mul3A_35 = arith.muli %scan3A_33, %mul3A_34 : i32
      %add3A_36 = arith.constant 0 : i32
      %add3A_37 = arith.addi %add3A_36, %mul3A_35 : i32
      %mul3A_38 = arith.constant 16 : i32
      %mul3A_39 = arith.muli %add3A_37, %mul3A_38 : i32
      %get3A = arith.index_cast %mul3A_39 : i32 to index
      %get3A_40 = tpu.vector_load %arg6[%get3A] {strides = array<i32>} : memref<10000xi32, #tpu.memory_space<vmem>>, vector<16xi32>,
      %broadcast_in_dim3A = arith.constant 1.000000e+00 : f32
      %broadcast_in_dim3A_41 = vector.broadcast %broadcast_in_dim3A : f32 to vector<16xf32>
      tpu.vector_store_idx %arg5[%get3A_40], %broadcast_in_dim3A_41 {add = true} : memref<10112xf32, #tpu.memory_space<vmem>>[vector<16xi32>], vector<16xf32>,
    }
    %scan3A_11 = arith.constant 625 : i32
    %barrier3A = arith.constant 0 : index
    tpu.barrier barrier_id(%barrier3A)
    %mul3A_12 = arith.constant 10112 : i32
    %mul3A_13 = arith.muli %arg1, %mul3A_12 : i32
    "tpu.region"() ({
      %run_scoped3A = tpu.sem_alloc : memref<!tpu.dma_semaphore, #tpu.memory_space<semaphore_mem>>
      %dma_start3A = tpu.memref_slice %arg4[%mul3A_13] : memref<161792xf32, #tpu.memory_space<vmem_shared>> -> memref<10112xf32, #tpu.memory_space<vmem_shared>>
      %dma_start3A_33 = tpu.memref_slice %arg4[%mul3A_13] : memref<161792xf32, #tpu.memory_space<vmem_shared>> -> memref<10112xf32, #tpu.memory_space<vmem_shared>>
      tpu.enqueue_dma source(%arg5 : memref<10112xf32, #tpu.memory_space<vmem>>) target(%dma_start3A_33 : memref<10112xf32, #tpu.memory_space<vmem_shared>>) target_semaphore(%run_scoped3A : memref<!tpu.dma_semaphore, #tpu.memory_space<semaphore_mem>>)
      %dma_wait3A = tpu.memref_slice %arg4[%mul3A_13] : memref<161792xf32, #tpu.memory_space<vmem_shared>> -> memref<10112xf32, #tpu.memory_space<vmem_shared>>
      %dma_wait3A_34 = tpu.memref_slice %arg4[%mul3A_13] : memref<161792xf32, #tpu.memory_space<vmem_shared>> -> memref<10112xf32, #tpu.memory_space<vmem_shared>>
      tpu.wait_dma2 semaphore(%run_scoped3A : memref<!tpu.dma_semaphore, #tpu.memory_space<semaphore_mem>>) src(%arg5 : memref<10112xf32, #tpu.memory_space<vmem>>) dst(%dma_wait3A_34 : memref<10112xf32, #tpu.memory_space<vmem_shared>>)
      tpu.yield
    }) : () -> ()
    %barrier3A_14 = arith.constant 0 : index
    tpu.barrier barrier_id(%barrier3A_14)
    %barrier3A_15 = arith.constant 0 : index
    tpu.barrier barrier_id(%barrier3A_15)
    %scan3A_16 = arith.constant 0 : i32
    %scan3A_17 = arith.constant 40 : i32
    %scan3A_18 = arith.addi %scan3A_16, %scan3A_17 : i32
    %scan3A_19 = arith.constant 1 : i32
    scf.for %scan3A_33 = %scan3A_16 to %scan3A_18 step %scan3A_19  : i32 {
      %mul3A_34 = arith.constant 1 : i32
      %mul3A_35 = arith.muli %scan3A_33, %mul3A_34 : i32
      %add3A_36 = arith.constant 0 : i32
      %add3A_37 = arith.addi %add3A_36, %mul3A_35 : i32
      %broadcast_in_dim3A = arith.constant 0.000000e+00 : f32
      %broadcast_in_dim3A_38 = vector.broadcast %broadcast_in_dim3A : f32 to vector<16xf32>
      %mul3A_39 = arith.constant 16 : i32
      %mul3A_40 = arith.muli %add3A_37, %mul3A_39 : i32
      %swap3A = arith.index_cast %mul3A_40 : i32 to index
      %swap3A_41 = tpu.vector_load %arg8[%swap3A] {strides = array<i32>} : memref<640xf32, #tpu.memory_space<vmem>>, vector<16xf32>,
      tpu.vector_store %arg8[%swap3A], %broadcast_in_dim3A_38 {strides = array<i32>} : memref<640xf32, #tpu.memory_space<vmem>>, vector<16xf32>,
      %broadcast_in_dim3A_42 = arith.constant 0.000000e+00 : f32
      %broadcast_in_dim3A_43 = vector.broadcast %broadcast_in_dim3A_42 : f32 to vector<16xf32>
      %mul3A_44 = arith.constant 16 : i32
      %mul3A_45 = arith.muli %add3A_37, %mul3A_44 : i32
      %swap3A_46 = arith.index_cast %mul3A_45 : i32 to index
      %swap3A_47 = tpu.vector_load %arg7[%swap3A_46] {strides = array<i32>} : memref<640xf32, #tpu.memory_space<vmem>>, vector<16xf32>,
      tpu.vector_store %arg7[%swap3A_46], %broadcast_in_dim3A_43 {strides = array<i32>} : memref<640xf32, #tpu.memory_space<vmem>>, vector<16xf32>,
    }
    %scan3A_20 = arith.constant 40 : i32
    %scan3A_21 = arith.constant 0 : i32
    %scan3A_22 = arith.constant 16 : i32
    %scan3A_23 = arith.addi %scan3A_21, %scan3A_22 : i32
    %scan3A_24 = arith.constant 1 : i32
    scf.for %scan3A_33 = %scan3A_21 to %scan3A_23 step %scan3A_24  : i32 {
      %mul3A_34 = arith.constant 1 : i32
      %mul3A_35 = arith.muli %scan3A_33, %mul3A_34 : i32
      %add3A_36 = arith.constant 0 : i32
      %add3A_37 = arith.addi %add3A_36, %mul3A_35 : i32
      %mul3A_38 = arith.constant 10112 : i32
      %mul3A_39 = arith.muli %add3A_37, %mul3A_38 : i32
      %mul3A_40 = arith.constant 632 : i32
      %mul3A_41 = arith.muli %arg1, %mul3A_40 : i32
      %add3A_42 = arith.addi %mul3A_39, %mul3A_41 : i32
      "tpu.region"() ({
        %run_scoped3A = tpu.sem_alloc : memref<!tpu.dma_semaphore, #tpu.memory_space<semaphore_mem>>
        %dma_start3A = arith.constant 0 : i32
        %dma_start3A_48 = tpu.memref_slice %arg7[%dma_start3A] : memref<640xf32, #tpu.memory_space<vmem>> -> memref<632xf32, #tpu.memory_space<vmem>>
        %dma_start3A_49 = tpu.memref_slice %arg4[%add3A_42] : memref<161792xf32, #tpu.memory_space<vmem_shared>> -> memref<632xf32, #tpu.memory_space<vmem_shared>>
        %dma_start3A_50 = arith.constant 0 : i32
        %dma_start3A_51 = tpu.memref_slice %arg7[%dma_start3A_50] : memref<640xf32, #tpu.memory_space<vmem>> -> memref<632xf32, #tpu.memory_space<vmem>>
        %dma_start3A_52 = tpu.memref_slice %arg4[%add3A_42] : memref<161792xf32, #tpu.memory_space<vmem_shared>> -> memref<632xf32, #tpu.memory_space<vmem_shared>>
        tpu.enqueue_dma source(%dma_start3A_52 : memref<632xf32, #tpu.memory_space<vmem_shared>>) target(%dma_start3A_51 : memref<632xf32, #tpu.memory_space<vmem>>) target_semaphore(%run_scoped3A : memref<!tpu.dma_semaphore, #tpu.memory_space<semaphore_mem>>)
        %dma_wait3A = arith.constant 0 : i32
        %dma_wait3A_53 = tpu.memref_slice %arg7[%dma_wait3A] : memref<640xf32, #tpu.memory_space<vmem>> -> memref<632xf32, #tpu.memory_space<vmem>>
        %dma_wait3A_54 = tpu.memref_slice %arg4[%add3A_42] : memref<161792xf32, #tpu.memory_space<vmem_shared>> -> memref<632xf32, #tpu.memory_space<vmem_shared>>
        %dma_wait3A_55 = arith.constant 0 : i32
        %dma_wait3A_56 = tpu.memref_slice %arg7[%dma_wait3A_55] : memref<640xf32, #tpu.memory_space<vmem>> -> memref<632xf32, #tpu.memory_space<vmem>>
        %dma_wait3A_57 = tpu.memref_slice %arg4[%add3A_42] : memref<161792xf32, #tpu.memory_space<vmem_shared>> -> memref<632xf32, #tpu.memory_space<vmem_shared>>
        tpu.wait_dma2 semaphore(%run_scoped3A : memref<!tpu.dma_semaphore, #tpu.memory_space<semaphore_mem>>) src(%dma_wait3A_57 : memref<632xf32, #tpu.memory_space<vmem_shared>>) dst(%dma_wait3A_56 : memref<632xf32, #tpu.memory_space<vmem>>)
        tpu.yield
      }) : () -> ()
      %scan3A_43 = arith.constant 0 : i32
      %scan3A_44 = arith.constant 40 : i32
      %scan3A_45 = arith.addi %scan3A_43, %scan3A_44 : i32
      %scan3A_46 = arith.constant 1 : i32
      scf.for %scan3A_48 = %scan3A_43 to %scan3A_45 step %scan3A_46  : i32 {
        %mul3A_49 = arith.constant 1 : i32
        %mul3A_50 = arith.muli %scan3A_48, %mul3A_49 : i32
        %add3A_51 = arith.constant 0 : i32
        %add3A_52 = arith.addi %add3A_51, %mul3A_50 : i32
        %mul3A_53 = arith.constant 16 : i32
        %mul3A_54 = arith.muli %add3A_52, %mul3A_53 : i32
        %get3A = arith.index_cast %mul3A_54 : i32 to index
        %get3A_55 = tpu.vector_load %arg8[%get3A] {strides = array<i32>} : memref<640xf32, #tpu.memory_space<vmem>>, vector<16xf32>,
        %mul3A_56 = arith.constant 16 : i32
        %mul3A_57 = arith.muli %add3A_52, %mul3A_56 : i32
        %get3A_58 = arith.index_cast %mul3A_57 : i32 to index
        %get3A_59 = tpu.vector_load %arg7[%get3A_58] {strides = array<i32>} : memref<640xf32, #tpu.memory_space<vmem>>, vector<16xf32>,
        %add3A_60 = arith.addf %get3A_55, %get3A_59 : vector<16xf32>
        %mul3A_61 = arith.constant 16 : i32
        %mul3A_62 = arith.muli %add3A_52, %mul3A_61 : i32
        %swap3A = arith.index_cast %mul3A_62 : i32 to index
        %swap3A_63 = tpu.vector_load %arg8[%swap3A] {strides = array<i32>} : memref<640xf32, #tpu.memory_space<vmem>>, vector<16xf32>,
        tpu.vector_store %arg8[%swap3A], %add3A_60 {strides = array<i32>} : memref<640xf32, #tpu.memory_space<vmem>>, vector<16xf32>,
      }
      %scan3A_47 = arith.constant 40 : i32
    }
    %scan3A_25 = arith.constant 16 : i32
    %scan3A_26 = arith.constant 0 : i32
    %scan3A_27 = arith.constant 632 : i32
    %scan3A_28 = arith.addi %scan3A_26, %scan3A_27 : i32
    %scan3A_29 = arith.constant 1 : i32
    scf.for %scan3A_33 = %scan3A_26 to %scan3A_28 step %scan3A_29  : i32 {
      %mul3A_34 = arith.constant 1 : i32
      %mul3A_35 = arith.muli %scan3A_33, %mul3A_34 : i32
      %add3A_36 = arith.constant 0 : i32
      %add3A_37 = arith.addi %add3A_36, %mul3A_35 : i32
      %broadcast_in_dim3A = vector.broadcast %add3A_37 : i32 to vector<16xi32>
      %gather3A = tpu.vector_load_idx %arg8[%broadcast_in_dim3A] : memref<640xf32, #tpu.memory_space<vmem>>[vector<16xi32>], vector<16xf32>,
      %swap3A = arith.index_cast %add3A_37 : i32 to index
      %swap3A_38 = arith.constant 0 : index
      %swap3A_39 = tpu.vector_load %arg9[%swap3A, %swap3A_38] {strides = array<i32>} : memref<632x16xf32, #tpu.memory_space<vmem>>, vector<16xf32>,
      tpu.vector_store %arg9[%swap3A, %swap3A_38], %gather3A {strides = array<i32>} : memref<632x16xf32, #tpu.memory_space<vmem>>, vector<16xf32>,
    }
    %scan3A_30 = arith.constant 632 : i32
    %mul3A_31 = arith.constant 632 : i32
    %mul3A_32 = arith.muli %arg1, %mul3A_31 : i32
    "tpu.region"() ({
      %run_scoped3A = tpu.sem_alloc : memref<!tpu.dma_semaphore, #tpu.memory_space<semaphore_mem>>
      %dma_start3A = arith.constant 0 : i32
      %dma_start3A_33 = tpu.memref_slice %arg3[%arg0, %mul3A_32, %dma_start3A] : memref<2x10112x16xf32, #tpu.memory_space<hbm>> -> memref<1x632x16xf32, #tpu.memory_space<hbm>>
      %dma_start3A_34 = tpu.memref_squeeze %dma_start3A_33 : memref<1x632x16xf32, #tpu.memory_space<hbm>> -> memref<632x16xf32, #tpu.memory_space<hbm>>
      %dma_start3A_35 = arith.constant 0 : i32
      %dma_start3A_36 = tpu.memref_slice %arg3[%arg0, %mul3A_32, %dma_start3A_35] : memref<2x10112x16xf32, #tpu.memory_space<hbm>> -> memref<1x632x16xf32, #tpu.memory_space<hbm>>
      %dma_start3A_37 = tpu.memref_squeeze %dma_start3A_36 : memref<1x632x16xf32, #tpu.memory_space<hbm>> -> memref<632x16xf32, #tpu.memory_space<hbm>>
      tpu.enqueue_dma source(%arg9 : memref<632x16xf32, #tpu.memory_space<vmem>>) target(%dma_start3A_37 : memref<632x16xf32, #tpu.memory_space<hbm>>) target_semaphore(%run_scoped3A : memref<!tpu.dma_semaphore, #tpu.memory_space<semaphore_mem>>)
      %dma_wait3A = arith.constant 0 : i32
      %dma_wait3A_38 = tpu.memref_slice %arg3[%arg0, %mul3A_32, %dma_wait3A] : memref<2x10112x16xf32, #tpu.memory_space<hbm>> -> memref<1x632x16xf32, #tpu.memory_space<hbm>>
      %dma_wait3A_39 = tpu.memref_squeeze %dma_wait3A_38 : memref<1x632x16xf32, #tpu.memory_space<hbm>> -> memref<632x16xf32, #tpu.memory_space<hbm>>
      %dma_wait3A_40 = arith.constant 0 : i32
      %dma_wait3A_41 = tpu.memref_slice %arg3[%arg0, %mul3A_32, %dma_wait3A_40] : memref<2x10112x16xf32, #tpu.memory_space<hbm>> -> memref<1x632x16xf32, #tpu.memory_space<hbm>>
      %dma_wait3A_42 = tpu.memref_squeeze %dma_wait3A_41 : memref<1x632x16xf32, #tpu.memory_space<hbm>> -> memref<632x16xf32, #tpu.memory_space<hbm>>
      tpu.wait_dma2 semaphore(%run_scoped3A : memref<!tpu.dma_semaphore, #tpu.memory_space<semaphore_mem>>) src(%arg9 : memref<632x16xf32, #tpu.memory_space<vmem>>) dst(%dma_wait3A_42 : memref<632x16xf32, #tpu.memory_space<hbm>>)
      tpu.yield
    }) : () -> ()
    return
  }
}

module attributes {stable_mosaic.version = 14 : i64} {
  func.func @_final_body(%arg0: i32, %arg1: memref<2x1000x128xf32, #tpu.memory_space<vmem>>, %arg2: memref<1000x128xf32, #tpu.memory_space<vmem>>, %arg3: memref<1x128xf32, #tpu.memory_space<vmem>>, %arg4: memref<1000x128xf32, #tpu.memory_space<vmem>>) attributes {dimension_semantics = [#tpu.dimension_semantics<arbitrary>], iteration_bounds = array<i64: 10>, scalar_prefetch = 0 : i64, scratch_operands = 0 : i64, tpu.core_type = #tpu.core_type<tc>, window_params = [{transform_indices = @transform_0, window_bounds = array<i64: 2, 1000, 128>}, {transform_indices = @transform_1, window_bounds = array<i64: 1000, 128>}, {pipeline_mode = #tpu.pipeline_mode<synchronous>, transform_indices = @transform_2, window_bounds = array<i64: 1, 128>}, {transform_indices = @transform_3, window_bounds = array<i64: 1000, 128>}]} {
    %get3A = arith.constant 0 : index
    %get3A_0 = arith.constant 0 : index
    %get3A_1 = arith.constant 0 : index
    %get3A_2 = vector.load %arg1[%get3A, %get3A_0, %get3A_1] : memref<2x1000x128xf32, #tpu.memory_space<vmem>>, vector<1x1000x128xf32>
    %get3A_3 = vector.shape_cast %get3A_2 : vector<1x1000x128xf32> to vector<1000x128xf32>
    %get3A_4 = arith.constant 1 : index
    %get3A_5 = arith.constant 0 : index
    %get3A_6 = arith.constant 0 : index
    %get3A_7 = vector.load %arg1[%get3A_4, %get3A_5, %get3A_6] : memref<2x1000x128xf32, #tpu.memory_space<vmem>>, vector<1x1000x128xf32>
    %get3A_8 = vector.shape_cast %get3A_7 : vector<1x1000x128xf32> to vector<1000x128xf32>
    %add3A = arith.addf %get3A_3, %get3A_8 : vector<1000x128xf32>
    %get3A_9 = arith.constant 0 : index
    %get3A_10 = arith.constant 0 : index
    %get3A_11 = vector.load %arg2[%get3A_9, %get3A_10] : memref<1000x128xf32, #tpu.memory_space<vmem>>, vector<1000x128xf32>
    %add3A_12 = arith.addf %add3A, %get3A_11 : vector<1000x128xf32>
    %get3A_13 = arith.constant 0 : index
    %get3A_14 = arith.constant 0 : index
    %get3A_15 = vector.load %arg3[%get3A_13, %get3A_14] : memref<1x128xf32, #tpu.memory_space<vmem>>, vector<1x128xf32>
    %add3A_16 = vector.broadcast %get3A_15 : vector<1x128xf32> to vector<1000x128xf32>
    %add3A_17 = arith.addf %add3A_12, %add3A_16 : vector<1000x128xf32>
    %swap3A = arith.constant 0 : index
    %swap3A_18 = arith.constant 0 : index
    %swap3A_19 = vector.load %arg4[%swap3A, %swap3A_18] : memref<1000x128xf32, #tpu.memory_space<vmem>>, vector<1000x128xf32>
    tpu.vector_store %arg4[%swap3A, %swap3A_18], %add3A_17 {strides = array<i32>} : memref<1000x128xf32, #tpu.memory_space<vmem>>, vector<1000x128xf32>,
    return
  }
  func.func @transform_0(%arg0: i32) -> (i32, i32, i32) {
    %c0_i32 = arith.constant 0 : i32
    %c0_i32_0 = arith.constant 0 : i32
    %c0_i32_1 = arith.constant 0 : i32
    return %c0_i32, %arg0, %c0_i32_0 : i32, i32, i32
  }
  func.func @transform_1(%arg0: i32) -> (i32, i32) {
    %c0_i32 = arith.constant 0 : i32
    %c0_i32_0 = arith.constant 0 : i32
    return %arg0, %c0_i32 : i32, i32
  }
  func.func @transform_2(%arg0: i32) -> (i32, i32) {
    %c0_i32 = arith.constant 0 : i32
    %c0_i32_0 = arith.constant 0 : i32
    %c0_i32_1 = arith.constant 0 : i32
    return %c0_i32, %c0_i32_0 : i32, i32
  }
  func.func @transform_3(%arg0: i32) -> (i32, i32) {
    %c0_i32 = arith.constant 0 : i32
    %c0_i32_0 = arith.constant 0 : i32
    return %arg0, %c0_i32 : i32, i32
  }
}

module attributes {stable_mosaic.version = 14 : i64} {
  func.func @_mmn_body(%arg0: i32, %arg1: memref<1000x128xf32, #tpu.memory_space<vmem>>, %arg2: memref<2x1000x16xf32, #tpu.memory_space<vmem>>, %arg3: memref<128x128xf32, #tpu.memory_space<vmem>>, %arg4: memref<1000x128xf32, #tpu.memory_space<vmem>>) attributes {dimension_semantics = [#tpu.dimension_semantics<arbitrary>], iteration_bounds = array<i64: 10>, scalar_prefetch = 0 : i64, scratch_operands = 0 : i64, tpu.core_type = #tpu.core_type<tc>, window_params = [{transform_indices = @transform_0, window_bounds = array<i64: 1000, 128>}, {transform_indices = @transform_1, window_bounds = array<i64: 2, 1000, 16>}, {pipeline_mode = #tpu.pipeline_mode<synchronous>, transform_indices = @transform_2, window_bounds = array<i64: 128, 128>}, {transform_indices = @transform_3, window_bounds = array<i64: 1000, 128>}]} {
    %get3A = arith.constant 0 : index
    %get3A_0 = arith.constant 0 : index
    %get3A_1 = arith.constant 0 : index
    %get3A_2 = vector.load %arg2[%get3A, %get3A_0, %get3A_1] : memref<2x1000x16xf32, #tpu.memory_space<vmem>>, vector<1x1000x16xf32>
    %get3A_3 = vector.shape_cast %get3A_2 : vector<1x1000x16xf32> to vector<1000x16xf32>
    %get3A_4 = arith.constant 1 : index
    %get3A_5 = arith.constant 0 : index
    %get3A_6 = arith.constant 0 : index
    %get3A_7 = vector.load %arg2[%get3A_4, %get3A_5, %get3A_6] : memref<2x1000x16xf32, #tpu.memory_space<vmem>>, vector<1x1000x16xf32>
    %get3A_8 = vector.shape_cast %get3A_7 : vector<1x1000x16xf32> to vector<1000x16xf32>
    %add3A = arith.addf %get3A_3, %get3A_8 : vector<1000x16xf32>
    %slice3A = vector.extract_strided_slice %add3A {offsets = [0, 0], sizes = [1000, 1], strides = [1, 1]} : vector<1000x16xf32> to vector<1000x1xf32>
    %add3A_9 = arith.constant 1.000000e+00 : f32
    %add3A_10 = vector.broadcast %add3A_9 : f32 to vector<1000x1xf32>
    %add3A_11 = arith.addf %slice3A, %add3A_10 : vector<1000x1xf32>
    %rsqrt3A = math.rsqrt %add3A_11 : vector<1000x1xf32>
    %get3A_12 = arith.constant 0 : index
    %get3A_13 = arith.constant 0 : index
    %get3A_14 = vector.load %arg1[%get3A_12, %get3A_13] : memref<1000x128xf32, #tpu.memory_space<vmem>>, vector<1000x128xf32>
    %mul3A = vector.broadcast %rsqrt3A : vector<1000x1xf32> to vector<1000x128xf32>
    %mul3A_15 = arith.mulf %get3A_14, %mul3A : vector<1000x128xf32>
    %get3A_16 = arith.constant 0 : index
    %get3A_17 = arith.constant 0 : index
    %get3A_18 = vector.load %arg3[%get3A_16, %get3A_17] : memref<128x128xf32, #tpu.memory_space<vmem>>, vector<128x128xf32>
    %dot_general3A = arith.constant dense<0.000000e+00> : vector<1000x128xf32>
    %dot_general3A_19 = tpu.matmul %mul3A_15, %get3A_18, %dot_general3A {dimension_numbers = #tpu.dot_dimension_numbers<[1], [1], [0], [0], [0, 0, 1, 0], [], []>, transpose_lhs_hint = false} : vector<1000x128xf32>, vector<128x128xf32>, vector<1000x128xf32> -> vector<1000x128xf32>
    %swap3A = arith.constant 0 : index
    %swap3A_20 = arith.constant 0 : index
    %swap3A_21 = vector.load %arg4[%swap3A, %swap3A_20] : memref<1000x128xf32, #tpu.memory_space<vmem>>, vector<1000x128xf32>
    tpu.vector_store %arg4[%swap3A, %swap3A_20], %dot_general3A_19 {strides = array<i32>} : memref<1000x128xf32, #tpu.memory_space<vmem>>, vector<1000x128xf32>,
    return
  }
  func.func @transform_0(%arg0: i32) -> (i32, i32) {
    %c0_i32 = arith.constant 0 : i32
    %c0_i32_0 = arith.constant 0 : i32
    return %arg0, %c0_i32 : i32, i32
  }
  func.func @transform_1(%arg0: i32) -> (i32, i32, i32) {
    %c0_i32 = arith.constant 0 : i32
    %c0_i32_0 = arith.constant 0 : i32
    %c0_i32_1 = arith.constant 0 : i32
    return %c0_i32, %arg0, %c0_i32_0 : i32, i32, i32
  }
  func.func @transform_2(%arg0: i32) -> (i32, i32) {
    %c0_i32 = arith.constant 0 : i32
    %c0_i32_0 = arith.constant 0 : i32
    %c0_i32_1 = arith.constant 0 : i32
    return %c0_i32, %c0_i32_0 : i32, i32
  }
  func.func @transform_3(%arg0: i32) -> (i32, i32) {
    %c0_i32 = arith.constant 0 : i32
    %c0_i32_0 = arith.constant 0 : i32
    return %arg0, %c0_i32 : i32, i32
  }
}

</mosaic_0001>

<sc_bundles>
// kernel: kernel.6.cloned.1.call-start
scs
__scs_entry_jumppad:
0x0: {  	(pc) =	sbr.rel $0x88, $3  }
0x1: {  	(tag) =	ssettag $0x0;
	lr =	simm.s32 $0x1  }
0x2: {  	[smem:$0x3F9D] =	sst lr;
	_ =	strace $0xD0000000  }
0x3: {  	_ = 	snop  }
0x4: {  	_ = 	snop  }
0x5: {  	_ = 	snop  }
0x6: {  	_ = 	snop  }
0x7: {  	_ = 	snop  }
__scs_overlays_trampoline_lowered:
0x8: {  	[smem:$0x3FAC] =	sst s0  }
0x9: {  	[smem:$0x3FAD] =	sst s1  }
0xa: {  	[smem:$0x3FAE] =	sst s2  }
0xb: {  	[smem:$0x3FAF] =	sst s3  }
0xc: {  	[smem:$0x3FB0] =	sst s4  }
0xd: {  	[smem:$0x3FB1] =	sst s5  }
0xe: {  	[smem:$0x3FB2] =	sst s6  }
0xf: {  	[smem:$0x3FB3] =	sst s7  }
0x10: {  	[smem:$0x3FB4] =	sst s8  }
0x11: {  	[smem:$0x3FB5] =	sst s9;
	s0 =	simm.s32 @!p0 $0x0  }
0x12: {  	s1 =	sld [smem:$0x3F9B];
	s0 =	simm.s32 @p0 $0x1  }
0x13: {  	[smem:$0x3FB6] =	sst s0;
	s0 =	simm.s32 @!p1 $0x0  }
0x14: {  	s2 =	sld [smem:$0x3F9A];
	s0 =	simm.s32 @p1 $0x1  }
0x15: {  	[smem:$0x3FB7] =	sst s0;
	s0 =	simm.s32 @!p2 $0x0  }
0x16: {  	s3 =	sld [smem:$0x3FDB];
	s0 =	simm.s32 @p2 $0x1  }
0x17: {  	s4 =	simm.s32 $0x1BF5;
	[smem:$0x3FB9] =	sst s0  }
0x18: {  	s0 =	sld [smem:$0x3F9C];
	_ =	swait.ge [sflag:s4], $0x0  }
0x19: {  	s7 =	sld [smem:$0x3F9D]  }
0x1a: {  	s8 =	sadd.s32 $0xFFFFE003, lr  }
0x1b: {  	s9 =	sadd.s32 $0xFFFFFEF7, lr;
	s5 =	simm.s32 $0xFFFFFFFF;
	p2 =	slt.u32 s8, $0xFFFFF086  }
0x1c: {  	p1 =	slt.u32 s9, $0xF7A;
	s5 =	simm.s32 @!p2 $0x0  }
0x1d: {  	s5 =	simm.s32 @p1 $0x1;
	p0 =	seq.s32 s7, s2  }
0x1e: {  	s7 =	smul.u32 @!p0 $0xF7A, s2;
	p2 =	seq.s32 @!p0 s5, $0x0  }
0x1f: {  	s9 =	smul.u32 $0xF7A, s1;
	s8 =	simm.s32 @!p0 $0x1BF5;
	p2 =	por !p2, p0  }
0x20: {  	[sflag:s8] =	ssyncset.s32 @!p0 $0xFFFFF086;
	s6 =	sadd.s32 @!p0 s3, s7;
	s7 =	simm.s32 @!p0 $0x108  }
0x21: {  	s3 =	sadd.s32 s3, s9;
	s6 =	sadd.s32 @!p0 $0x88, s6;
	s7 =	simm.s32 @p2 $0x1082  }
0x22: {  	[simem:s7], [sflag:s8] =	dma.local @!p0 [hbm:s6], $0xF7A  }
0x23: {  	s9 =	sor.u32 $0xD0000000, s2;
	s6 =	simm.s32 $0x108;
	_ =	swait.ge @!p0 [sflag:s8], $0x0  }
0x24: {  	s3 =	sadd.s32 $0x88, s3;
	s6 =	simm.s32 @!p1 $0x1082;
	[sflag:s4] =	ssyncset.s32 $0xFFFFF086  }
0x25: {  	[simem:s6], [sflag:s4] =	dma.local [hbm:s3], $0xF7A  }
0x26: {  	[smem:$0x3F9D] =	sst s1;
	(tag) =	ssettag s2;
	_ =	strace s9  }
0x27: {  	s1 =	sld [smem:$0x3FAD]  }
0x28: {  	s2 =	sld [smem:$0x3FAE]  }
0x29: {  	s4 =	sld [smem:$0x3FB0]  }
0x2a: {  	p0 =	seq.s32 s5, $0x0;
	s5 =	sld [smem:$0x3FB1]  }
0x2b: {  	s6 =	sld [smem:$0x3FB2]  }
0x2c: {  	s7 =	sld [smem:$0x3FB3]  }
0x2d: {  	s3 =	simm.s32 $0x108;
	s8 =	sld [smem:$0x3FB4]  }
0x2e: {  	s3 =	simm.s32 @!p0 $0x1082;
	s9 =	sld [smem:$0x3FB5]  }
0x2f: {  	lr =	sadd.s32 s0, s3;
	s0 =	sld [smem:$0x3FAC]  }
0x30: {  	s3 =	sld [smem:$0x3FAF]  }
0x31: {  	[smem:$0x3FB8] =	sst s10  }
0x32: {  	s10 =	sld [smem:$0x3FB6];
	_ =	sdelay $0x3  }
0x33: {  	p0 =	seq.s32 s10, $0x1;
	s10 =	sld [smem:$0x3FB8];
	_ =	sdelay $0x3  }
0x34: {  	[smem:$0x3FB8] =	sst s10  }
0x35: {  	s10 =	sld [smem:$0x3FB7];
	_ =	sdelay $0x3  }
0x36: {  	p1 =	seq.s32 s10, $0x1;
	s10 =	sld [smem:$0x3FB8];
	_ =	sdelay $0x3  }
0x37: {  	[smem:$0x3FB8] =	sst s10  }
0x38: {  	s10 =	sld [smem:$0x3FB9]  }
0x39: {  	_ = 	snop;
	(pc) =	sbr.ind lr, $3  }
0x3a: {  	_ = 	snop  }
0x3b: {  	_ = 	snop  }
0x3c: {  	p2 =	seq.s32 s10, $0x1;
	s10 =	sld [smem:$0x3FB8]  }
0x3d: {  	_ =	shalt  }
0x3e: {  	_ =	shalt  }
0x3f: {  	_ =	shalt  }
0x40: {  	_ =	shalt  }
0x41: {  	_ =	shalt  }
0x42: {  	_ =	shalt  }
0x43: {  	_ =	shalt  }
0x44: {  	_ =	shalt  }
0x45: {  	_ =	shalt  }
0x46: {  	_ =	shalt  }
0x47: {  	_ =	shalt  }
0x48: {  	_ =	shalt  }
0x49: {  	_ =	shalt  }
0x4a: {  	_ =	shalt  }
0x4b: {  	_ =	shalt  }
0x4c: {  	_ =	shalt  }
0x4d: {  	_ =	shalt  }
0x4e: {  	_ =	shalt  }
0x4f: {  	_ =	shalt  }
0x50: {  	_ =	shalt  }
0x51: {  	_ =	shalt  }
0x52: {  	_ =	shalt  }
0x53: {  	_ =	shalt  }
0x54: {  	_ =	shalt  }
0x55: {  	_ =	shalt  }
0x56: {  	_ =	shalt  }
0x57: {  	_ =	shalt  }
0x58: {  	_ =	shalt  }
0x59: {  	_ =	shalt  }
0x5a: {  	_ =	shalt  }
0x5b: {  	_ =	shalt  }
0x5c: {  	_ =	shalt  }
0x5d: {  	_ =	shalt  }
0x5e: {  	_ =	shalt  }
0x5f: {  	_ =	shalt  }
0x60: {  	_ =	shalt  }
0x61: {  	_ =	shalt  }
0x62: {  	_ =	shalt  }
0x63: {  	_ =	shalt  }
0x64: {  	_ =	shalt  }
0x65: {  	_ =	shalt  }
0x66: {  	_ =	shalt  }
0x67: {  	_ =	shalt  }
0x68: {  	_ =	shalt  }
0x69: {  	_ =	shalt  }
0x6a: {  	_ =	shalt  }
0x6b: {  	_ =	shalt  }
0x6c: {  	_ =	shalt  }
0x6d: {  	_ =	shalt  }
0x6e: {  	_ =	shalt  }
0x6f: {  	_ =	shalt  }
0x70: {  	_ =	shalt  }
0x71: {  	_ =	shalt  }
0x72: {  	_ =	shalt  }
0x73: {  	_ =	shalt  }
0x74: {  	_ =	shalt  }
0x75: {  	_ =	shalt  }
0x76: {  	_ =	shalt  }
0x77: {  	_ =	shalt  }
0x78: {  	_ =	shalt  }
0x79: {  	_ =	shalt  }
0x7a: {  	_ =	shalt  }
0x7b: {  	_ =	shalt  }
0x7c: {  	_ =	shalt  }
0x7d: {  	_ =	shalt  }
0x7e: {  	_ =	shalt  }
0x7f: {  	_ =	shalt  }
0x80: {  	_ =	shalt  }
0x81: {  	_ =	shalt  }
0x82: {  	_ =	shalt  }
0x83: {  	_ =	shalt  }
0x84: {  	_ =	shalt  }
0x85: {  	_ =	shalt  }
0x86: {  	_ =	shalt  }
0x87: {  	_ =	shalt  }
.Lfunc_end0:
.L_simem_size_0:
called_computation_lowered:
.L_overlay_start_0:
0x88: {  	s2 =	sld [smem:$0x3FD9]  }
0x89: {  	s3 =	sld [smem:$0x3FFE];
	_ =	sdelay $0x1  }
0x8a: {  	s1 =	srdreg.scid  }
0x8b: {  	s0 =	sand.u32 $0x1, s1  }
0x8c: {  	s16 =	sshll.u32 s0, $0xA;
	s2 =	sadd.s32 s3, s2  }
0x8d: {  	s2 =	sadd.s32 s2, s16  }
0x8e: {  	[smem:$0x3FC4] =	sst s2  }
0x8f: {  	_ = 	snop  }
0x90: {  	(tm) =	ssettm $0x1  }
0x91: {  	s17 =	sld [smem:$0x3FFB];
	_ =	sdelay $0x3  }
0x92: {  	_ =	strace s17  }
0x93: {  	s2 =	sld [smem:$0x3FFC];
	_ =	sdelay $0x3  }
0x94: {  	_ =	strace s2  }
0x95: {  	s2 =	sld [smem:$0x3FFD];
	_ =	sdelay $0x3  }
0x96: {  	_ =	strace s2  }
0x97: {  	_ =	strace $0x8FFFFFFF  }
0x98: {  	s18 =	sld [smem:$0x3FDB];
	_ =	sdelay $0x1  }
0x99: {  	s19 =	simm.s32 $_scs_section_size  }
0x9a: {  	s4 =	simm.s32 $_size__tile_overlayer_lowered;
	s5 =	simm.s32 $_tile_overlayer_lowered  }
0x9b: {  	s22 =	simm.s32 $0x1BFF;
	s21 =	sshll.u32 s5, $0x1;
	s2 =	sadd.s32 s19, s18  }
0x9c: {  	s6 =	simm.s32 $0x0;
	s20 =	sshll.u32 s4, $0x1;
	s4 =	sadd.s32 s21, s2  }
0x9d: {  	[timem:s6], [sflag:s22] =	dma.local [hbm:s4], s20  }
0x9e: {  	_ =	swait.ge [sflag:s22], s20  }
0x9f: {  	s3 =	ssub.s32 $0x0, s20;
	[sflag:s22] =	ssyncset.done $0x0  }
0xa0: {  	[sflag:s22] =	ssyncadd.s32 s3;
	_ =	sdelay $0x1  }
0xa1: {  	s23 =	simm.s32 $0x1B8B  }
0xa2: {  	_ =	swait.ge [sflag:s23], $0x1  }
0xa3: {  	[sflag:s23] =	ssyncset.done $0x0  }
0xa4: {  	s25 =	simm.s32 $0x1B8E;
	s24 =	sld [smem:$0x3FFE];
	[sflag:s23] =	ssyncadd.s32 $0xFFFFFFFF  }
0xa5: {  	s26 =	simm.s32 $execute0_lowered;
	[smem:$0x3FD2] =	sst s25  }
0xa6: {  	s4 =	sshll.u32 s26, $0x1;
	_ =	strace $0x80000046;
	[dreg:$0x1] =	wrdreg $0xFFFFFFFF  }
0xa7: {  	s28 =	simm.s32 $_size_execute0_lowered;
	s2 =	sadd.s32 s2, s4;
	[dreg:$0x0] =	wrdreg $0x0  }
0xa8: {  	s4 =	sshll.u32 s28, $0x1;
	[dreg:$0x2] =	wrdreg s2  }
0xa9: {  	[dreg:$0x3] =	wrdreg s4  }
0xaa: {  	[dreg:$0x4] =	wrdreg $0xC0  }
0xab: {  	_ =	task [dreg:s6], $0x5FFFF  }
0xac: {  	[dreg:$0x1] =	wrdreg $0xFFFFFFFF  }
0xad: {  	[dreg:$0x0] =	wrdreg $0x60  }
0xae: {  	[dreg:$0x2] =	wrdreg s24  }
0xaf: {  	[dreg:$0x3] =	wrdreg $0x0  }
0xb0: {  	[dreg:$0x4] =	wrdreg $0x9  }
0xb1: {  	_ =	task.clear_ibuf [dreg:s6], $0x5FFFF;
	_ =	strace $0x90000046  }
0xb2: {  	s29 =	simm.s32 $0x9;
	_ =	strace $0x80000048  }
0xb3: {  	_ =	swait.ge [sflag:s29], $0x1  }
0xb4: {  	[sflag:s29] =	ssyncadd.s32 $0xFFFFFFFF  }
0xb5: {  	_ =	strace $0x90000048  }
0xb6: {  	_ =	sfence  }
0xb7: {  	s30 =	sld [smem:$0x0];
	_ =	sdelay $0x2  }
0xb8: {  	s31 =	sshll.u32 s1, $0xD;
	s1 =	sshrl.u32 s1, $0x2  }
0xb9: {  	s3 =	sand.u32 $0x4000, s31;
	s1 =	sadd.s32 s1, s30  }
0xba: {  	s0 =	sor.u32 s3, s0;
	s1 =	sshll.u32 s1, $0x11  }
0xbb: {  	s0 =	sor.u32 s1, s0  }
0xbc: {  	s0 =	sadd.s32 $0x8F2B, s0  }
0xbd: {  	[sflag:s0] =	ssyncadd.remote.s32 $0x1  }
0xbe: {  	_ =	sfence.sel $0xFFFF  }
0xbf: {  	[dreg:$0x0] =	wrdreg $0xFFFFFFFF;
	(pc) =	sbr.abs _section_cstart, $3  }
0xc0: {  	[dreg:$0x1] =	wrdreg $0xFFFFFFFF  }
0xc1: {  	_ =	task.clear_ibuf [dreg:s6], $0x2FFFF;
	_ =	strace $0x9FFFFFFF  }
0xc2: {  	(tm) =	ssettm $0x7FFFFFFF  }
0xc3: {  	_ =	shalt  }
tec
execute0_lowered:
.L_overlay_start_1:
0x0: {  	(tag) =	ssettag $0x1  }
0x1: {  	s3 =	rddreg [dreg:$0x0]  }
0x2: {  	s5 =	rddreg [dreg:$0x1]  }
0x3: {  	s1 =	srdreg.scid;
	s0 =	rddreg [dreg:$0x2]  }
0x4: {  	s2 =	simm.s32 $0x0;
	s11 =	simm.s32 $0x7680;
	s4 =	sand.u32 $0x1, s1  }
0x5: {  	s12 =	simm.s32 $0x7900;
	s1 =	stileid.u32;
	s7 =	smul.u32 $0x13C000, s4  }
0x6: {  	s13 =	simm.s32 $0x7B80;
	s14 =	simm.s32 $0x0;
	s8 =	smul.u32 $0x13C00, s1  }
0x7: {  	[smem:$0x7FF] =	sst s2;
	s6 =	sshll.u32 s4, $0x4;
	s28 =	smul.u32 $0x9E00, s1  }
0x8: {  	s4 =	ssub.s32 $0x2, s4;
	s9 =	smul.u32 $0x9E0, s1;
	s6 =	sor.u32 s1, s6  }
0x9: {  	_ =	strace $0x80000047;
	s29 =	sshrl.u32 s4, $0x1;
	s6 =	smul.u32 $0x4E2, s6  }
0xa: {  	s7 =	sadd.s32 s8, s7;
	s10 =	ssub.s32 s4, s29;
	s30 =	sshrl.u32 s28, $0x2  }
0xb: {  	s31 =	sshrl.u32 s9, $0x2;
	s8 =	simm.s32 $0x4F00;
	s9 =	simm.s32 $0x1  }
0xc: {  	s7 =	sshrl.u32 s7, $0x3;
	s4 =	sadd.s32 s30, s5;
	s6 =	sadd.s32 s6, s3  }
0xd: {  	s5 =	sadd.s32 s31, s5;
	s7 =	sadd.s32 s7, s3;
	s3 =	sadd.s32 $0xB800, s6  }
0xe: {  	v0 =	vimm.f32 $0.0e+00;
	v1 =	vimm.f32 $1.000000000e+00;
	s6 =	sadd.s32 $0x15600, s7;
	s7 =	smax.u32 s10, $0x1;
	s10 =	simm.s32 $0x2780  }
.LBB2_1:
0xf: {  	s15 =	simm.s32 $0x40;
	s16 =	simm.s32 $0x0  }
.LBB2_2:
0x10: {  	p0 =	sne.s32 s15, $0x9DC0;
	[tilespmem:s16+$0x2780] =	vst v0;
	s16 =	smov.u32 s15;
	s15 =	sadd.s32 $0x40, s15  }
.Ltmp0:
0x11: {  	(pc) =	sbr.rel @p0 .LBB2_2-.Ltmp0, $2  }
0x12: {  	_ =	sdelay $0x2  }
0x13: {  	s16 =	sshra.s32 s16, $0x2  }
0x14: {  	[tilespmem:s16+$0x2780] =	vst v0;
	s15 =	simm.s32 $0x0  }
0x15: {  	[tilespmem:s8], [sflag:$0x1] =	stream.linear.gather [hbm4b:s3+s15], $0x2710, $0x38;
	[tilespmem:$0x1B780] =	vst v63  }
0x16: {  	_ =	swait.ge [sflag:s9], $0x2710  }
0x17: {  	[sflag:s9] =	ssyncset.done $0x0  }
0x18: {  	s16 =	simm.s32 $0x0;
	s15 =	simm.s32 $0x40;
	[sflag:s9] =	ssyncadd.s32 $0xFFFFD8F0  }
.LBB2_4:
0x19: {  	p0 =	sne.s32 s15, $0x9C00;
	v2 =	vld [tilespmem:s16+$0x4F00];
	_ =	sdelay $0x3  }
.Ltmp1:
0x1a: {  	(pc) =	sbr.rel @p0 .LBB2_4-.Ltmp1, $2  }
0x1b: {  	_ =	sdelay $0x2  }
0x1c: {  	s16 =	sshra.s32 s15, $0x2;
	s15 =	sadd.s32 $0x40, s15;
	[tilespmem:v2+s10+$0x0] =	vst.idx.add.f32.msk $0xffff, v1  }
0x1d: {  	v2 =	vld [tilespmem:s16+$0x4F00];
	_ =	sdelay $0x7  }
0x1e: {  	[tilespmem:v2+s10+$0x0] =	vst.idx.add.f32.msk $0xffff, v1  }
0x1f: {  	[bflag:$0x0] =	sbarrier.arrive $0xFFFF  }
0x20: {  	[spmem:s4] =	stream.linear.scatter [tilespmem:s10], [sflag:$0x1], $0x2780, $0x38;
	[tilespmem:$0x1B780] =	vst v63  }
0x21: {  	_ =	swait.ge [sflag:s9], $0x2780  }
0x22: {  	[sflag:s9] =	ssyncset.done $0x0  }
0x23: {  	[sflag:s9] =	ssyncadd.s32 $0xFFFFD880  }
0x24: {  	s15 =	simm.s32 $0x0;
	[bflag:$0x0] =	sbarrier.arrive $0xFFFF  }
0x25: {  	s16 =	simm.s32 $0x40;
	s17 =	simm.s32 $0x0;
	[bflag:$0x0] =	sbarrier.arrive $0xFFFF  }
.LBB2_6:
0x26: {  	p0 =	sne.s32 s16, $0x9C0;
	[tilespmem:s17+$0x7900] =	vst v0;
	s18 =	smov.u32 s16;
	s16 =	sadd.s32 $0x40, s16  }
.Ltmp2:
0x27: {  	[tilespmem:s17+$0x7680] =	vst v0;
	(pc) =	sbr.rel @p0 .LBB2_6-.Ltmp2, $2  }
0x28: {  	_ =	sdelay $0x2  }
0x29: {  	s17 =	sshra.s32 s18, $0x2  }
0x2a: {  	[tilespmem:s17+$0x7900] =	vst v0  }
0x2b: {  	[tilespmem:s17+$0x7680] =	vst v0  }
.LBB2_8:
0x2c: {  	s16 =	smul.u32 $0x9E00, s15;
	_ =	sdelay $0x1  }
0x2d: {  	s16 =	sshra.s32 s16, $0x2  }
0x2e: {  	s16 =	sadd.s32 s16, s5  }
0x2f: {  	[tilespmem:s11], [sflag:$0x1] =	stream.linear.gather [spmem:s16], $0x278, $0x38;
	[tilespmem:$0x1B780] =	vst v63  }
0x30: {  	_ =	swait.ge [sflag:s9], $0x278  }
0x31: {  	[sflag:s9] =	ssyncset.done $0x0  }
0x32: {  	s16 =	simm.s32 $0x0;
	[sflag:s9] =	ssyncadd.s32 $0xFFFFFD88  }
0x33: {  	s17 =	simm.s32 $0x40;
	v2 =	vld [tilespmem:s16+$0x7680]  }
.LBB2_9:
0x34: {  	p0 =	sne.s32 s17, $0x9C0;
	v3 =	vld [tilespmem:s16+$0x7900];
	_ =	sdelay $0x2  }
.Ltmp3:
0x35: {  	(pc) =	sbr.rel @p0 .LBB2_9-.Ltmp3, $4  }
0x36: {  	_ = 	snop  }
0x37: {  	v3 =	vadd.f32 v2, v3  }
0x38: {  	s18 =	sshra.s32 s17, $0x2  }
0x39: {  	s17 =	sadd.s32 $0x40, s17;
	v2 =	vld [tilespmem:s18+$0x7680];
	[tilespmem:s16+$0x7900] =	vst v3;
	s16 =	smov.u32 s18  }
0x3a: {  	v3 =	vld [tilespmem:s16+$0x7900]  }
0x3b: {  	s15 =	sadd.s32 $0x1, s15  }
0x3c: {  	p0 =	sne.s32 s15, $0x10  }
.Ltmp4:
0x3d: {  	_ = 	snop;
	(pc) =	sbr.rel @p0 .LBB2_8-.Ltmp4, $3  }
0x3e: {  	_ = 	snop  }
0x3f: {  	v2 =	vadd.f32 v2, v3;
	_ =	sdelay $0x1  }
0x40: {  	[tilespmem:s16+$0x7900] =	vst v2  }
0x41: {  	s15 =	simm.s32 $0x0  }
0x42: {  	v2 =	vmov s15;
	_ =	sdelay $0x4  }
0x43: {  	s31 =	simm.s32 $0x1;
	v2 =	vld.idx.msk [tilespmem:v2+s12+$0x0], $0xffff  }
0x44: {  	v3 =	vmov s31;
	_ =	sdelay $0x2  }
0x45: {  	s15 =	simm.s32 $0x7B80  }
0x46: {  	[tilespmem:s15+$0x0] =	vst v2  }
0x47: {  	s16 =	simm.s32 $0x2;
	v2 =	vld.idx.msk [tilespmem:v3+s12+$0x0], $0xffff  }
0x48: {  	v3 =	vmov s16;
	s16 =	simm.s32 $0x3  }
.LBB2_12:
0x49: {  	p0 =	sne.s32 s16, $0x277;
	_ =	sdelay $0x1  }
.Ltmp5:
0x4a: {  	s15 =	sadd.s32 $0x80, s15;
	(pc) =	sbr.rel @p0 .LBB2_12-.Ltmp5, $3  }
0x4b: {  	[tilespmem:s15+$0x0] =	vst v2  }
0x4c: {  	v2 =	vld.idx.msk [tilespmem:v3+s12+$0x0], $0xffff;
	_ =	sdelay $0x1  }
0x4d: {  	v3 =	vmov s16;
	s16 =	sadd.s32 $0x1, s16  }
0x4e: {  	_ =	sdelay $0x1  }
0x4f: {  	s15 =	sadd.s32 $0x80, s15  }
0x50: {  	[tilespmem:s15+$0x0] =	vst v2  }
0x51: {  	v2 =	vld.idx.msk [tilespmem:v3+s12+$0x0], $0xffff;
	_ =	sdelay $0x2  }
0x52: {  	s14 =	sadd.s32 $0x1, s14  }
0x53: {  	p0 =	sne.s32 s14, s7;
	s15 =	sadd.s32 $0x80, s15  }
.Ltmp6:
0x54: {  	[tilespmem:s15+$0x0] =	vst v2;
	(pc) =	sbr.rel @p0 .LBB2_1-.Ltmp6, $4  }
0x55: {  	[hbm4b:s6+s2] =	stream.linear.scatter [tilespmem:s13], [sflag:$0x1], $0x13C00, $0x38;
	[tilespmem:$0x1B780] =	vst v63  }
0x56: {  	_ =	swait.ge [sflag:s9], $0x13C00  }
0x57: {  	[sflag:s9] =	ssyncset.done $0x0  }
0x58: {  	[sflag:s9] =	ssyncadd.s32 $0xFFFEC400  }
0x59: {  	_ =	sfence.sel $0x180000  }
0x5a: {  	[bflag:$0x0] =	sbarrier.arrive $0xFFFF  }
0x5b: {  	p0 =	sne.s32 s1, $0x0;
	_ =	strace $0x90000047  }
0x5c: {  	s0 =	sadd.s32 @!p0 $0x100000, s0;
	[bflag:$0x2] =	sbarrier.arrive $0xFFFF  }
0x5d: {  	[sflag:s0] =	ssyncadd.tile.s32 @!p0 $0x1;
	_ =	shalt  }
.Lfunc_end2:
_tile_overlayer_lowered:
.L_overlay_start_2:
0x5e: {  	(tag) =	ssettag $0x2  }
0x5f: {  	s0 =	rddreg [dreg:$0x0];
	s2 =	stileid.u32  }
0x60: {  	s1 =	rddreg [dreg:$0x1];
	p0 =	sne.s32 s2, $0x0  }
0x61: {  	s3 =	rddreg [dreg:$0x2];
	[bflag:$0x3] =	sbarrier.arrive $0xFFFF;
	s2 =	simm.s32 @!p0 $0x1C01  }
0x62: {  	[timem:s3], [sflag:s2] =	dma.local @!p0 [hbm:s0], s1  }
0x63: {  	s0 =	simm.s32 @!p0 $0x1  }
0x64: {  	_ =	swait.ge @!p0 [sflag:s0], s1  }
0x65: {  	s1 =	ssub.s32 @!p0 $0x0, s1;
	[sflag:s0] =	ssyncset.done @!p0 $0x0  }
0x66: {  	[sflag:s0] =	ssyncadd.s32 @!p0 s1  }
0x67: {  	[bflag:$0x3] =	sbarrier.arrive $0xFFFF  }
0x68: {  	_ =	shalt  }

// kernel: kernel.9.cloned.1.call-start
scs
__scs_entry_jumppad:
0x0: {  	(pc) =	sbr.rel $0x88, $3  }
0x1: {  	(tag) =	ssettag $0x0;
	lr =	simm.s32 $0x1  }
0x2: {  	[smem:$0x3F9D] =	sst lr;
	_ =	strace $0xD0000000  }
0x3: {  	_ = 	snop  }
0x4: {  	_ = 	snop  }
0x5: {  	_ = 	snop  }
0x6: {  	_ = 	snop  }
0x7: {  	_ = 	snop  }
__scs_overlays_trampoline_lowered:
0x8: {  	[smem:$0x3FAC] =	sst s0  }
0x9: {  	[smem:$0x3FAD] =	sst s1  }
0xa: {  	[smem:$0x3FAE] =	sst s2  }
0xb: {  	[smem:$0x3FAF] =	sst s3  }
0xc: {  	[smem:$0x3FB0] =	sst s4  }
0xd: {  	[smem:$0x3FB1] =	sst s5  }
0xe: {  	[smem:$0x3FB2] =	sst s6  }
0xf: {  	[smem:$0x3FB3] =	sst s7  }
0x10: {  	[smem:$0x3FB4] =	sst s8  }
0x11: {  	[smem:$0x3FB5] =	sst s9;
	s0 =	simm.s32 @!p0 $0x0  }
0x12: {  	s1 =	sld [smem:$0x3F9B];
	s0 =	simm.s32 @p0 $0x1  }
0x13: {  	[smem:$0x3FB6] =	sst s0;
	s0 =	simm.s32 @!p1 $0x0  }
0x14: {  	s2 =	sld [smem:$0x3F9A];
	s0 =	simm.s32 @p1 $0x1  }
0x15: {  	[smem:$0x3FB7] =	sst s0;
	s0 =	simm.s32 @!p2 $0x0  }
0x16: {  	s3 =	sld [smem:$0x3FDB];
	s0 =	simm.s32 @p2 $0x1  }
0x17: {  	s4 =	simm.s32 $0x1BF5;
	[smem:$0x3FB9] =	sst s0  }
0x18: {  	s0 =	sld [smem:$0x3F9C];
	_ =	swait.ge [sflag:s4], $0x0  }
0x19: {  	s7 =	sld [smem:$0x3F9D]  }
0x1a: {  	s8 =	sadd.s32 $0xFFFFE003, lr  }
0x1b: {  	s9 =	sadd.s32 $0xFFFFFEF7, lr;
	s5 =	simm.s32 $0xFFFFFFFF;
	p2 =	slt.u32 s8, $0xFFFFF086  }
0x1c: {  	p1 =	slt.u32 s9, $0xF7A;
	s5 =	simm.s32 @!p2 $0x0  }
0x1d: {  	s5 =	simm.s32 @p1 $0x1;
	p0 =	seq.s32 s7, s2  }
0x1e: {  	s7 =	smul.u32 @!p0 $0xF7A, s2;
	p2 =	seq.s32 @!p0 s5, $0x0  }
0x1f: {  	s9 =	smul.u32 $0xF7A, s1;
	s8 =	simm.s32 @!p0 $0x1BF5;
	p2 =	por !p2, p0  }
0x20: {  	[sflag:s8] =	ssyncset.s32 @!p0 $0xFFFFF086;
	s6 =	sadd.s32 @!p0 s3, s7;
	s7 =	simm.s32 @!p0 $0x108  }
0x21: {  	s3 =	sadd.s32 s3, s9;
	s6 =	sadd.s32 @!p0 $0x88, s6;
	s7 =	simm.s32 @p2 $0x1082  }
0x22: {  	[simem:s7], [sflag:s8] =	dma.local @!p0 [hbm:s6], $0xF7A  }
0x23: {  	s9 =	sor.u32 $0xD0000000, s2;
	s6 =	simm.s32 $0x108;
	_ =	swait.ge @!p0 [sflag:s8], $0x0  }
0x24: {  	s3 =	sadd.s32 $0x88, s3;
	s6 =	simm.s32 @!p1 $0x1082;
	[sflag:s4] =	ssyncset.s32 $0xFFFFF086  }
0x25: {  	[simem:s6], [sflag:s4] =	dma.local [hbm:s3], $0xF7A  }
0x26: {  	[smem:$0x3F9D] =	sst s1;
	(tag) =	ssettag s2;
	_ =	strace s9  }
0x27: {  	s1 =	sld [smem:$0x3FAD]  }
0x28: {  	s2 =	sld [smem:$0x3FAE]  }
0x29: {  	s4 =	sld [smem:$0x3FB0]  }
0x2a: {  	p0 =	seq.s32 s5, $0x0;
	s5 =	sld [smem:$0x3FB1]  }
0x2b: {  	s6 =	sld [smem:$0x3FB2]  }
0x2c: {  	s7 =	sld [smem:$0x3FB3]  }
0x2d: {  	s3 =	simm.s32 $0x108;
	s8 =	sld [smem:$0x3FB4]  }
0x2e: {  	s3 =	simm.s32 @!p0 $0x1082;
	s9 =	sld [smem:$0x3FB5]  }
0x2f: {  	lr =	sadd.s32 s0, s3;
	s0 =	sld [smem:$0x3FAC]  }
0x30: {  	s3 =	sld [smem:$0x3FAF]  }
0x31: {  	[smem:$0x3FB8] =	sst s10  }
0x32: {  	s10 =	sld [smem:$0x3FB6];
	_ =	sdelay $0x3  }
0x33: {  	p0 =	seq.s32 s10, $0x1;
	s10 =	sld [smem:$0x3FB8];
	_ =	sdelay $0x3  }
0x34: {  	[smem:$0x3FB8] =	sst s10  }
0x35: {  	s10 =	sld [smem:$0x3FB7];
	_ =	sdelay $0x3  }
0x36: {  	p1 =	seq.s32 s10, $0x1;
	s10 =	sld [smem:$0x3FB8];
	_ =	sdelay $0x3  }
0x37: {  	[smem:$0x3FB8] =	sst s10  }
0x38: {  	s10 =	sld [smem:$0x3FB9]  }
0x39: {  	_ = 	snop;
	(pc) =	sbr.ind lr, $3  }
0x3a: {  	_ = 	snop  }
0x3b: {  	_ = 	snop  }
0x3c: {  	p2 =	seq.s32 s10, $0x1;
	s10 =	sld [smem:$0x3FB8]  }
0x3d: {  	_ =	shalt  }
0x3e: {  	_ =	shalt  }
0x3f: {  	_ =	shalt  }
0x40: {  	_ =	shalt  }
0x41: {  	_ =	shalt  }
0x42: {  	_ =	shalt  }
0x43: {  	_ =	shalt  }
0x44: {  	_ =	shalt  }
0x45: {  	_ =	shalt  }
0x46: {  	_ =	shalt  }
0x47: {  	_ =	shalt  }
0x48: {  	_ =	shalt  }
0x49: {  	_ =	shalt  }
0x4a: {  	_ =	shalt  }
0x4b: {  	_ =	shalt  }
0x4c: {  	_ =	shalt  }
0x4d: {  	_ =	shalt  }
0x4e: {  	_ =	shalt  }
0x4f: {  	_ =	shalt  }
0x50: {  	_ =	shalt  }
0x51: {  	_ =	shalt  }
0x52: {  	_ =	shalt  }
0x53: {  	_ =	shalt  }
0x54: {  	_ =	shalt  }
0x55: {  	_ =	shalt  }
0x56: {  	_ =	shalt  }
0x57: {  	_ =	shalt  }
0x58: {  	_ =	shalt  }
0x59: {  	_ =	shalt  }
0x5a: {  	_ =	shalt  }
0x5b: {  	_ =	shalt  }
0x5c: {  	_ =	shalt  }
0x5d: {  	_ =	shalt  }
0x5e: {  	_ =	shalt  }
0x5f: {  	_ =	shalt  }
0x60: {  	_ =	shalt  }
0x61: {  	_ =	shalt  }
0x62: {  	_ =	shalt  }
0x63: {  	_ =	shalt  }
0x64: {  	_ =	shalt  }
0x65: {  	_ =	shalt  }
0x66: {  	_ =	shalt  }
0x67: {  	_ =	shalt  }
0x68: {  	_ =	shalt  }
0x69: {  	_ =	shalt  }
0x6a: {  	_ =	shalt  }
0x6b: {  	_ =	shalt  }
0x6c: {  	_ =	shalt  }
0x6d: {  	_ =	shalt  }
0x6e: {  	_ =	shalt  }
0x6f: {  	_ =	shalt  }
0x70: {  	_ =	shalt  }
0x71: {  	_ =	shalt  }
0x72: {  	_ =	shalt  }
0x73: {  	_ =	shalt  }
0x74: {  	_ =	shalt  }
0x75: {  	_ =	shalt  }
0x76: {  	_ =	shalt  }
0x77: {  	_ =	shalt  }
0x78: {  	_ =	shalt  }
0x79: {  	_ =	shalt  }
0x7a: {  	_ =	shalt  }
0x7b: {  	_ =	shalt  }
0x7c: {  	_ =	shalt  }
0x7d: {  	_ =	shalt  }
0x7e: {  	_ =	shalt  }
0x7f: {  	_ =	shalt  }
0x80: {  	_ =	shalt  }
0x81: {  	_ =	shalt  }
0x82: {  	_ =	shalt  }
0x83: {  	_ =	shalt  }
0x84: {  	_ =	shalt  }
0x85: {  	_ =	shalt  }
0x86: {  	_ =	shalt  }
0x87: {  	_ =	shalt  }
.Lfunc_end0:
.L_simem_size_0:
called_computation.1_lowered:
.L_overlay_start_0:
0x88: {  	s2 =	sld [smem:$0x3FD9]  }
0x89: {  	s3 =	sld [smem:$0x3FFE];
	_ =	sdelay $0x1  }
0x8a: {  	s1 =	srdreg.scid  }
0x8b: {  	s0 =	sand.u32 $0x1, s1  }
0x8c: {  	s17 =	sshll.u32 s0, $0xA;
	s2 =	sadd.s32 s3, s2  }
0x8d: {  	s2 =	sadd.s32 s2, s17  }
0x8e: {  	[smem:$0x3FC4] =	sst s2  }
0x8f: {  	_ = 	snop  }
0x90: {  	s2 =	sld [smem:$0x3FD0];
	(tm) =	ssettm $0x1  }
0x91: {  	s18 =	sld [smem:$0x3FFB];
	_ =	sdelay $0x3  }
0x92: {  	_ =	strace s18  }
0x93: {  	s3 =	sld [smem:$0x3FFC];
	_ =	sdelay $0x3  }
0x94: {  	_ =	strace s3  }
0x95: {  	s3 =	sld [smem:$0x3FFD];
	_ =	sdelay $0x3  }
0x96: {  	_ =	strace s3  }
0x97: {  	_ =	strace $0x8FFFFFFF  }
0x98: {  	s19 =	sld [smem:$0x3FDB];
	_ =	sdelay $0x1  }
0x99: {  	s4 =	simm.s32 $_scs_section_size  }
0x9a: {  	s5 =	simm.s32 $_size__tile_overlayer_lowered;
	s6 =	simm.s32 $_tile_overlayer_lowered  }
0x9b: {  	s22 =	simm.s32 $0x1BFF;
	s21 =	sshll.u32 s6, $0x1;
	s3 =	sadd.s32 s4, s19  }
0x9c: {  	s7 =	simm.s32 $0x0;
	s20 =	sshll.u32 s5, $0x1;
	s5 =	sadd.s32 s21, s3  }
0x9d: {  	[timem:s7], [sflag:s22] =	dma.local [hbm:s5], s20  }
0x9e: {  	_ =	swait.ge [sflag:s22], s20  }
0x9f: {  	s4 =	ssub.s32 $0x0, s20;
	[sflag:s22] =	ssyncset.done $0x0  }
0xa0: {  	[sflag:s22] =	ssyncadd.s32 s4;
	_ =	sdelay $0x1  }
0xa1: {  	s23 =	simm.s32 $0x1B8B  }
0xa2: {  	_ =	swait.ge [sflag:s23], $0x1  }
0xa3: {  	[sflag:s23] =	ssyncset.done $0x0  }
0xa4: {  	s25 =	simm.s32 $0x1B8E;
	s24 =	sld [smem:$0x3FFE];
	[sflag:s23] =	ssyncadd.s32 $0xFFFFFFFF  }
0xa5: {  	s26 =	simm.s32 $execute0_lowered;
	[smem:$0x3FD2] =	sst s25  }
0xa6: {  	s5 =	sshll.u32 s26, $0x1;
	_ =	strace $0x80000049;
	[dreg:$0x1] =	wrdreg $0xFFFFFFFF  }
0xa7: {  	s28 =	simm.s32 $_size_execute0_lowered;
	s3 =	sadd.s32 s3, s5;
	[dreg:$0x0] =	wrdreg $0x0  }
0xa8: {  	s5 =	sshll.u32 s28, $0x1;
	[dreg:$0x2] =	wrdreg s3  }
0xa9: {  	[dreg:$0x3] =	wrdreg s5  }
0xaa: {  	[dreg:$0x4] =	wrdreg $0xC0  }
0xab: {  	_ =	task [dreg:s7], $0x5FFFF  }
0xac: {  	[dreg:$0x1] =	wrdreg $0xFFFFFFFF  }
0xad: {  	[dreg:$0x0] =	wrdreg $0x60  }
0xae: {  	[dreg:$0x2] =	wrdreg s2  }
0xaf: {  	[dreg:$0x3] =	wrdreg s24  }
0xb0: {  	[dreg:$0x4] =	wrdreg $0x0  }
0xb1: {  	[dreg:$0x5] =	wrdreg $0x9  }
0xb2: {  	_ =	task.clear_ibuf [dreg:s7], $0x6FFFF;
	_ =	strace $0x90000049  }
0xb3: {  	s29 =	simm.s32 $0x9;
	_ =	strace $0x8000004B  }
0xb4: {  	_ =	swait.ge [sflag:s29], $0x1  }
0xb5: {  	[sflag:s29] =	ssyncadd.s32 $0xFFFFFFFF  }
0xb6: {  	_ =	strace $0x9000004B  }
0xb7: {  	_ =	sfence  }
0xb8: {  	s30 =	sld [smem:$0x0];
	_ =	sdelay $0x2  }
0xb9: {  	s31 =	sshll.u32 s1, $0xD;
	s1 =	sshrl.u32 s1, $0x2  }
0xba: {  	s3 =	sand.u32 $0x4000, s31;
	s1 =	sadd.s32 s1, s30  }
0xbb: {  	s0 =	sor.u32 s3, s0;
	s1 =	sshll.u32 s1, $0x11  }
0xbc: {  	s0 =	sor.u32 s1, s0  }
0xbd: {  	s0 =	sadd.s32 $0x8F2B, s0  }
0xbe: {  	[sflag:s0] =	ssyncadd.remote.s32 $0x1  }
0xbf: {  	_ =	sfence.sel $0xFFFF  }
0xc0: {  	[dreg:$0x0] =	wrdreg $0xFFFFFFFF;
	(pc) =	sbr.abs _section_cstart, $3  }
0xc1: {  	[dreg:$0x1] =	wrdreg $0xFFFFFFFF  }
0xc2: {  	_ =	task.clear_ibuf [dreg:s7], $0x2FFFF;
	_ =	strace $0x9FFFFFFF  }
0xc3: {  	(tm) =	ssettm $0x7FFFFFFF  }
tec
execute0_lowered:
.L_overlay_start_1:
0x0: {  	(tag) =	ssettag $0x1  }
0x1: {  	s1 =	rddreg [dreg:$0x0]  }
0x2: {  	s0 =	rddreg [dreg:$0x1]  }
0x3: {  	s3 =	rddreg [dreg:$0x2];
	s2 =	srdreg.scid  }
0x4: {  	s10 =	stileid.u32;
	s4 =	simm.s32 $0x0;
	s13 =	simm.s32 $0x13C00  }
0x5: {  	s15 =	simm.s32 $0x7;
	s16 =	simm.s32 $0x8;
	s17 =	simm.s32 $0x9  }
0x6: {  	s18 =	simm.s32 $0x40;
	s19 =	simm.s32 $0x18B00;
	s21 =	simm.s32 $0x1AB00  }
0x7: {  	s23 =	simm.s32 $0x1CB00;
	s24 =	simm.s32 $0x1;
	s25 =	simm.s32 $0x2  }
0x8: {  	s26 =	simm.s32 $0x3;
	s28 =	simm.s32 $0x4;
	s29 =	simm.s32 $0x5  }
0x9: {  	s30 =	simm.s32 $0x6;
	s14 =	simm.s32 $0x10;
	s7 =	smul.u32 $0x13C00, s10  }
0xa: {  	s22 =	simm.s32 $0xA;
	s2 =	sand.u32 $0x1, s2;
	s31 =	smul.u32 $0x4F000, s10  }
0xb: {  	[smem:$0x7FF] =	sst s4;
	s5 =	sshll.u32 s2, $0x4;
	s6 =	smul.u32 $0x13C000, s2  }
0xc: {  	_ =	strace $0x8000004A;
	s2 =	ssub.s32 $0x2, s2;
	s5 =	sor.u32 s10, s5  }
0xd: {  	s8 =	sshrl.u32 s2, $0x1;
	s5 =	smul.u32 $0x4E2, s5;
	s6 =	sadd.s32 s7, s6  }
0xe: {  	s7 =	sshrl.u32 s31, $0x2;
	s2 =	ssub.s32 s2, s8;
	s6 =	sshrl.u32 s6, $0x3  }
0xf: {  	s12 =	sadd.s32 s7, s3;
	s11 =	smax.u32 s2, $0x1;
	s9 =	sadd.s32 s5, s0  }
0x10: {  	s5 =	sadd.s32 $0x15600, s0;
	s0 =	sadd.s32 s6, s0;
	s6 =	sshll.u32 s10, $0x6  }
0x11: {  	s12 =	sshrl.u32 s12, $0x3;
	s7 =	sor.u32 $0x1C07, s6;
	s8 =	sadd.s32 $0xB800, s9  }
0x12: {  	s9 =	sadd.s32 $0x1A00, s9;
	s10 =	sadd.s32 $0x17E00, s0;
	s0 =	simm.s32 $0x0  }
.LBB2_1:
0x13: {  	[spmem:s12], [sflag:s7] =	dma.local [hbm:s5], $0x2780  }
0x14: {  	[tilespmem:s13], [sflag:$0x8] =	stream.linear.gather [hbm4b:s8+s4], $0x2710, $0x38;
	[tilespmem:$0x1EB00] =	vst v63  }
0x15: {  	s2 =	simm.s32 $0x16380  }
0x16: {  	[tilespmem:s2], [sflag:$0x9] =	stream.linear.gather [hbm4b:s9+s4], $0x2710, $0x38;
	[tilespmem:$0x1EB00] =	vst v63  }
0x17: {  	_ =	swait.ge [sflag:s15], $0x2780  }
0x18: {  	[sflag:s15] =	ssyncset.done $0x0  }
0x19: {  	[sflag:s15] =	ssyncadd.s32 $0xFFFFD880  }
0x1a: {  	_ =	swait.ge [sflag:s16], $0x2710  }
0x1b: {  	[sflag:s16] =	ssyncset.done $0x0  }
0x1c: {  	[sflag:s16] =	ssyncadd.s32 $0xFFFFD8F0  }
0x1d: {  	_ =	swait.ge [sflag:s17], $0x2710  }
0x1e: {  	[sflag:s17] =	ssyncset.done $0x0  }
0x1f: {  	[sflag:s17] =	ssyncadd.s32 $0xFFFFD8F0  }
0x20: {  	[bflag:$0x0] =	sbarrier.arrive $0xFFFF  }
0x21: {  	[tilespmem:s19], [sflag:$0x1] =	stream.indirect.gather [hbm4b:s1+s18], $0x80, s13, s18, $0xb8;
	[tilespmem:$0x1EB00] =	vst v63  }
0x22: {  	s31 =	simm.s32 $0x13C40  }
0x23: {  	[tilespmem:s21], [sflag:$0x2] =	stream.indirect.gather [hbm4b:s1+s18], $0x80, s31, s18, $0xb8;
	[tilespmem:$0x1EB00] =	vst v63  }
0x24: {  	s20 =	simm.s32 $0x13C80  }
0x25: {  	[tilespmem:s23], [sflag:$0x3] =	stream.indirect.gather [hbm4b:s1+s18], $0x80, s20, s18, $0xb8;
	[tilespmem:$0x1EB00] =	vst v63  }
0x26: {  	_ =	swait.ge [sflag:s24], $0x2000  }
0x27: {  	[sflag:s24] =	ssyncset.done $0x0  }
0x28: {  	s31 =	simm.s32 $0x16380;
	[sflag:s24] =	ssyncadd.s32 $0xFFFFE000  }
0x29: {  	[spmem:s3] =	stream.indirect.scatter.add.f32 [tilespmem:s19], [sflag:$0x4], $0x80, s31, s18, $0xb8;
	[tilespmem:$0x1EB00] =	vst v63  }
0x2a: {  	_ =	swait.ge [sflag:s25], $0x2000  }
0x2b: {  	[sflag:s25] =	ssyncset.done $0x0  }
0x2c: {  	s20 =	simm.s32 $0x163C0;
	[sflag:s25] =	ssyncadd.s32 $0xFFFFE000  }
0x2d: {  	[spmem:s3] =	stream.indirect.scatter.add.f32 [tilespmem:s21], [sflag:$0x5], $0x80, s20, s18, $0xb8;
	[tilespmem:$0x1EB00] =	vst v63  }
0x2e: {  	_ =	swait.ge [sflag:s26], $0x2000  }
0x2f: {  	[sflag:s26] =	ssyncset.done $0x0  }
0x30: {  	s31 =	simm.s32 $0x16400;
	[sflag:s26] =	ssyncadd.s32 $0xFFFFE000  }
0x31: {  	[spmem:s3] =	stream.indirect.scatter.add.f32 [tilespmem:s23], [sflag:$0x6], $0x80, s31, s18, $0xb8;
	[tilespmem:$0x1EB00] =	vst v63  }
0x32: {  	_ =	swait.ge [sflag:s28], $0x2000  }
0x33: {  	[sflag:s28] =	ssyncset.done $0x0  }
0x34: {  	s20 =	simm.s32 $0x13CC0;
	[sflag:s28] =	ssyncadd.s32 $0xFFFFE000  }
0x35: {  	[tilespmem:s19], [sflag:$0x1] =	stream.indirect.gather [hbm4b:s1+s18], $0x80, s20, s18, $0xb8;
	[tilespmem:$0x1EB00] =	vst v63  }
0x36: {  	_ =	swait.ge [sflag:s29], $0x2000  }
0x37: {  	[sflag:s29] =	ssyncset.done $0x0  }
0x38: {  	s31 =	simm.s32 $0x13D00;
	[sflag:s29] =	ssyncadd.s32 $0xFFFFE000  }
0x39: {  	[tilespmem:s21], [sflag:$0x2] =	stream.indirect.gather [hbm4b:s1+s18], $0x80, s31, s18, $0xb8;
	[tilespmem:$0x1EB00] =	vst v63  }
0x3a: {  	_ =	swait.ge [sflag:s30], $0x2000  }
0x3b: {  	[sflag:s30] =	ssyncset.done $0x0  }
0x3c: {  	s2 =	simm.s32 $0x300;
	s20 =	simm.s32 $0x13D40;
	[sflag:s30] =	ssyncadd.s32 $0xFFFFE000  }
.LBB2_2:
0x3d: {  	[tilespmem:s23], [sflag:$0x3] =	stream.indirect.gather [hbm4b:s1+s18], $0x80, s20, s18, $0xb8;
	[tilespmem:$0x1EB00] =	vst v63  }
0x3e: {  	s20 =	smov.u32 s2  }
0x3f: {  	p0 =	sne.s32 s2, $0x9600;
	s2 =	sadd.s32 $0x300, s2;
	_ =	swait.ge [sflag:s24], $0x2000  }
0x40: {  	s20 =	sshra.s32 s20, $0x2;
	[sflag:s24] =	ssyncset.done $0x0  }
0x41: {  	s31 =	sadd.s32 $0x16380, s20;
	[sflag:s24] =	ssyncadd.s32 $0xFFFFE000  }
0x42: {  	[spmem:s3] =	stream.indirect.scatter.add.f32 [tilespmem:s19], [sflag:$0x4], $0x80, s31, s18, $0xb8;
	[tilespmem:$0x1EB00] =	vst v63  }
0x43: {  	_ =	swait.ge [sflag:s25], $0x2000  }
0x44: {  	[sflag:s25] =	ssyncset.done $0x0  }
0x45: {  	s31 =	sadd.s32 $0x163C0, s20;
	[sflag:s25] =	ssyncadd.s32 $0xFFFFE000  }
0x46: {  	[spmem:s3] =	stream.indirect.scatter.add.f32 [tilespmem:s21], [sflag:$0x5], $0x80, s31, s18, $0xb8;
	[tilespmem:$0x1EB00] =	vst v63  }
0x47: {  	_ =	swait.ge [sflag:s26], $0x2000  }
0x48: {  	[sflag:s26] =	ssyncset.done $0x0  }
0x49: {  	s31 =	sadd.s32 $0x16400, s20;
	[sflag:s26] =	ssyncadd.s32 $0xFFFFE000  }
0x4a: {  	[spmem:s3] =	stream.indirect.scatter.add.f32 [tilespmem:s23], [sflag:$0x6], $0x80, s31, s18, $0xb8;
	[tilespmem:$0x1EB00] =	vst v63  }
0x4b: {  	_ =	swait.ge [sflag:s28], $0x2000  }
0x4c: {  	[sflag:s28] =	ssyncset.done $0x0  }
0x4d: {  	s31 =	sadd.s32 $0x13CC0, s20;
	[sflag:s28] =	ssyncadd.s32 $0xFFFFE000  }
0x4e: {  	[tilespmem:s19], [sflag:$0x1] =	stream.indirect.gather [hbm4b:s1+s18], $0x80, s31, s18, $0xb8;
	[tilespmem:$0x1EB00] =	vst v63  }
0x4f: {  	_ =	swait.ge [sflag:s29], $0x2000  }
0x50: {  	[sflag:s29] =	ssyncset.done $0x0  }
.Ltmp0:
0x51: {  	s31 =	sadd.s32 $0x13D00, s20;
	[sflag:s29] =	ssyncadd.s32 $0xFFFFE000;
	(pc) =	sbr.rel @p0 .LBB2_2-.Ltmp0, $4  }
0x52: {  	[tilespmem:s21], [sflag:$0x2] =	stream.indirect.gather [hbm4b:s1+s18], $0x80, s31, s18, $0xb8;
	[tilespmem:$0x1EB00] =	vst v63  }
0x53: {  	_ =	swait.ge [sflag:s30], $0x2000  }
0x54: {  	[sflag:s30] =	ssyncset.done $0x0  }
0x55: {  	s20 =	sadd.s32 $0x13D40, s20;
	[sflag:s30] =	ssyncadd.s32 $0xFFFFE000  }
0x56: {  	[tilespmem:s23], [sflag:$0x3] =	stream.indirect.gather [hbm4b:s1+s18], $0x80, s20, s18, $0xb8;
	[tilespmem:$0x1EB00] =	vst v63  }
0x57: {  	_ =	swait.ge [sflag:s24], $0x2000  }
0x58: {  	[sflag:s24] =	ssyncset.done $0x0  }
0x59: {  	s2 =	simm.s32 $0x189C0;
	[sflag:s24] =	ssyncadd.s32 $0xFFFFE000  }
0x5a: {  	[spmem:s3] =	stream.indirect.scatter.add.f32 [tilespmem:s19], [sflag:$0x4], $0x80, s2, s18, $0xb8;
	[tilespmem:$0x1EB00] =	vst v63  }
0x5b: {  	_ =	swait.ge [sflag:s28], $0x2000  }
0x5c: {  	[sflag:s28] =	ssyncset.done $0x0  }
0x5d: {  	[sflag:s28] =	ssyncadd.s32 $0xFFFFE000  }
0x5e: {  	_ =	swait.ge [sflag:s25], $0x2000  }
0x5f: {  	[sflag:s25] =	ssyncset.done $0x0  }
0x60: {  	s31 =	simm.s32 $0x18A00;
	[sflag:s25] =	ssyncadd.s32 $0xFFFFE000  }
0x61: {  	[spmem:s3] =	stream.indirect.scatter.add.f32 [tilespmem:s21], [sflag:$0x5], $0x80, s31, s18, $0xb8;
	[tilespmem:$0x1EB00] =	vst v63  }
0x62: {  	_ =	swait.ge [sflag:s29], $0x2000  }
0x63: {  	[sflag:s29] =	ssyncset.done $0x0  }
0x64: {  	[sflag:s29] =	ssyncadd.s32 $0xFFFFE000  }
0x65: {  	_ =	swait.ge [sflag:s26], $0x2000  }
0x66: {  	[sflag:s26] =	ssyncset.done $0x0  }
0x67: {  	s20 =	simm.s32 $0x18A40;
	[sflag:s26] =	ssyncadd.s32 $0xFFFFE000  }
0x68: {  	[spmem:s3] =	stream.indirect.scatter.add.f32 [tilespmem:s23], [sflag:$0x6], $0x80, s20, s18, $0xb8;
	[tilespmem:$0x1EB00] =	vst v63  }
0x69: {  	_ =	swait.ge [sflag:s30], $0x2000  }
0x6a: {  	[sflag:s30] =	ssyncset.done $0x0  }
0x6b: {  	s31 =	simm.s32 $0x16300;
	[sflag:s30] =	ssyncadd.s32 $0xFFFFE000  }
0x6c: {  	[tilespmem:s19], [sflag:$0xA] =	stream.indirect.gather [hbm4b:s1+s14], $0x80, s31, s14, $0xb8;
	[tilespmem:$0x1EB00] =	vst v63  }
0x6d: {  	_ =	swait.ge [sflag:s22], $0x800  }
0x6e: {  	[sflag:s22] =	ssyncset.done $0x0  }
0x6f: {  	s20 =	simm.s32 $0x18A80;
	[sflag:s22] =	ssyncadd.s32 $0xFFFFF800  }
0x70: {  	[spmem:s3] =	stream.indirect.scatter.add.f32 [tilespmem:s19], [sflag:$0xA], $0x80, s20, s14, $0xb8;
	[tilespmem:$0x1EB00] =	vst v63  }
0x71: {  	_ =	swait.ge [sflag:s22], $0x800  }
0x72: {  	[sflag:s22] =	ssyncset.done $0x0  }
0x73: {  	s0 =	sadd.s32 $0x1, s0;
	[sflag:s22] =	ssyncadd.s32 $0xFFFFF800  }
0x74: {  	p0 =	sne.s32 s0, s11;
	[bflag:$0x0] =	sbarrier.arrive $0xFFFF  }
.Ltmp1:
0x75: {  	s31 =	sor.u32 $0x1C0A, s6;
	[bflag:$0x0] =	sbarrier.arrive $0xFFFF;
	(pc) =	sbr.rel @p0 .LBB2_1-.Ltmp1, $4  }
0x76: {  	[hbm:s10], [sflag:s31] =	dma.local [spmem:s12], $0x2780  }
0x77: {  	_ =	swait.ge [sflag:s22], $0x2780  }
0x78: {  	[sflag:s22] =	ssyncset.done $0x0  }
0x79: {  	[sflag:s22] =	ssyncadd.s32 $0xFFFFD880  }
0x7a: {  	_ =	sfence.sel $0x180000  }
0x7b: {  	[bflag:$0x0] =	sbarrier.arrive $0xFFFF  }
0x7c: {  	_ =	strace $0x9000004A  }
0x7d: {  	s0 =	stileid.u32;
	[bflag:$0x2] =	sbarrier.arrive $0xFFFF  }
0x7e: {  	p0 =	sne.s32 s0, $0x0;
	s0 =	rddreg [dreg:$0x3]  }
0x7f: {  	s0 =	sadd.s32 @!p0 $0x100000, s0  }
0x80: {  	[sflag:s0] =	ssyncadd.tile.s32 @!p0 $0x1;
	_ =	shalt  }
.Lfunc_end2:
_tile_overlayer_lowered:
.L_overlay_start_2:
0x81: {  	(tag) =	ssettag $0x2  }
0x82: {  	s0 =	rddreg [dreg:$0x0];
	s2 =	stileid.u32  }
0x83: {  	s1 =	rddreg [dreg:$0x1];
	p0 =	sne.s32 s2, $0x0  }
0x84: {  	s3 =	rddreg [dreg:$0x2];
	[bflag:$0x3] =	sbarrier.arrive $0xFFFF;
	s2 =	simm.s32 @!p0 $0x1C0A  }
0x85: {  	[timem:s3], [sflag:s2] =	dma.local @!p0 [hbm:s0], s1  }
0x86: {  	s0 =	simm.s32 @!p0 $0xA  }
0x87: {  	_ =	swait.ge @!p0 [sflag:s0], s1  }
0x88: {  	s1 =	ssub.s32 @!p0 $0x0, s1;
	[sflag:s0] =	ssyncset.done @!p0 $0x0  }
0x89: {  	[sflag:s0] =	ssyncadd.s32 @!p0 s1  }
0x8a: {  	[bflag:$0x3] =	sbarrier.arrive $0xFFFF  }
0x8b: {  	_ =	shalt  }

</sc_bundles>
